<compile_context>
chip_gen: v7x
topology: tpu7x:2x2x1
jax: 0.10.2.dev20260603
libtpu: 0.0.44.dev20260713+nightly
codegen_flags: <defaults>
</compile_context>

<pallas_src>
import functools

import jax
import jax.numpy as jnp
from jax import lax
from jax.experimental import pallas as pl
from jax.experimental.pallas import tpu as pltpu
from jax.experimental.pallas import tpu_sc as plsc

N = 32768
D = 256
B = 16
NC = 2
NS = 16
L = 16
NW = NC * NS
HALF = D // 2
CH = HALF // L
BLK = 256
NBLK = N // BLK

_mesh = plsc.VectorSubcoreMesh(
    core_axis_name="c", subcore_axis_name="s", num_cores=NC, num_subcores=NS
)


@functools.partial(
    pl.kernel,
    out_type=jax.ShapeDtypeStruct((B, 3 * D), jnp.float32),
    mesh=_mesh,
    scratch_types=[
        pltpu.VMEM((N + L,), jnp.int32),
        pltpu.VMEM((2 * BLK, HALF), jnp.float32),
        pltpu.VMEM((2, HALF), jnp.float32),
        pltpu.VMEM((B,), jnp.int32),
        pltpu.VMEM((B, D), jnp.float32),
        pltpu.SemaphoreType.DMA,
        pltpu.SemaphoreType.DMA,
        pltpu.SemaphoreType.DMA,
    ],
)
def _state_embedding_kernel(values_hbm, idx_hbm, roots_hbm, out_hbm,
                            idx_v, rows_v, obuf, roots_v, rootrows_v,
                            sem0, sem1, rsem):
    wid = lax.axis_index("s") * NC + lax.axis_index("c")
    j = wid >> 1
    h = wid & 1
    col = h * HALF
    zeros = jnp.zeros((L,), jnp.float32)
    ninf = jnp.full((L,), -jnp.inf, jnp.float32)

    @pl.when(wid == 0)
    def _():
        pltpu.sync_copy(roots_hbm, roots_v)
        pltpu.async_copy(values_hbm.at[roots_v], rootrows_v, rsem)

    pltpu.sync_copy(idx_hbm, idx_v.at[pl.ds(0, N)])
    idx_v[pl.ds(N, L)] = jnp.zeros((L,), jnp.int32) + B

    def lower_bound(tgt):
        def step(_, carry):
            lo, hi = carry
            mid = (lo + hi) >> 1
            v = idx_v[pl.ds(mid, L)]
            lt = v[0] < tgt
            return jnp.where(lt, mid + 1, lo), jnp.where(lt, hi, mid)

        lo, _ = lax.fori_loop(0, 16, step, (jnp.int32(0), jnp.int32(N)))
        return lo

    lo_j = lower_bound(j)
    hi_j = lower_bound(j + 1)

    b_lo = lo_j >> 8
    b_hi = (hi_j + (BLK - 1)) >> 8
    nb = b_hi - b_lo

    def src(i):
        return values_hbm.at[pl.ds((b_lo + i) * BLK, BLK), pl.ds(col, HALF)]

    def start(i):
        @pl.when((i & 1) == 0)
        def _():
            pltpu.async_copy(src(i), rows_v.at[pl.ds(0, BLK)], sem0)

        @pl.when((i & 1) == 1)
        def _():
            pltpu.async_copy(src(i), rows_v.at[pl.ds(BLK, BLK)], sem1)

    def wait(i):
        @pl.when((i & 1) == 0)
        def _():
            pltpu.make_async_copy(src(i), rows_v.at[pl.ds(0, BLK)], sem0).wait()

        @pl.when((i & 1) == 1)
        def _():
            pltpu.make_async_copy(src(i), rows_v.at[pl.ds(BLK, BLK)], sem1).wait()

    @pl.when(nb > 0)
    def _():
        start(jnp.int32(0))

    def make_blk_body(masked):
        def blk_body(i, carry):
            @pl.when(i + 1 < nb)
            def _():
                start(i + 1)

            wait(i)
            b = b_lo + i
            base = (i & 1) * BLK

            def row_body(r, car):
                sums, maxs = car
                new_s = []
                new_m = []
                if masked:
                    abs_r = b * BLK + r
                    inr = jnp.logical_and(abs_r >= lo_j, abs_r < hi_j)
                    pf = jnp.where(inr, 1.0, 0.0) + zeros
                    pm = jnp.where(inr, 0.0, -jnp.inf) + zeros
                    for c in range(CH):
                        v = rows_v[base + r, pl.ds(c * L, L)]
                        new_s.append(sums[c] + v * pf)
                        new_m.append(jnp.maximum(maxs[c], v + pm))
                else:
                    for c in range(CH):
                        v = rows_v[base + r, pl.ds(c * L, L)]
                        new_s.append(sums[c] + v)
                        new_m.append(jnp.maximum(maxs[c], v))
                return tuple(new_s), tuple(new_m)

            return lax.fori_loop(0, BLK, row_body, carry)

        return blk_body

    edge_body = make_blk_body(True)
    full_body = make_blk_body(False)

    init = (tuple(zeros for _ in range(CH)), tuple(ninf for _ in range(CH)))
    carry = lax.fori_loop(0, jnp.minimum(nb, 1), edge_body, init)
    carry = lax.fori_loop(1, nb - 1, full_body, carry)
    sums, maxs = lax.fori_loop(jnp.maximum(nb - 1, 1), nb, edge_body, carry)

    cntf = (hi_j - lo_j).astype(jnp.float32)
    rden = 1.0 / jnp.maximum(zeros + cntf, 1.0)
    for c in range(CH):
        obuf[0, pl.ds(c * L, L)] = sums[c] * rden
        obuf[1, pl.ds(c * L, L)] = maxs[c]
    pltpu.sync_copy(obuf.at[0], out_hbm.at[j, pl.ds(col, HALF)])
    pltpu.sync_copy(obuf.at[1], out_hbm.at[j, pl.ds(D + col, HALF)])

    @pl.when(wid == 0)
    def _():
        pltpu.make_async_copy(values_hbm.at[roots_v], rootrows_v, rsem).wait()
        pltpu.sync_copy(rootrows_v, out_hbm.at[:, pl.ds(2 * D, D)])


def kernel(node_values, node_indices, roots):
    idx32 = node_indices.astype(jnp.int32)
    roots32 = roots.astype(jnp.int32)
    return _state_embedding_kernel(node_values, idx32, roots32)

# --- scband reference (transcript-rebuilt; emitter-appended) ---
"""Pipeline reference for scband-state-embedding-87110526697683 (READ-ONLY COPY).

The authoritative reference and input builder live on the scoring server;
editing this copy changes nothing except your own understanding.
"""

import jax, jax.numpy as jnp
import numpy as np

N = 32768
D = 256
B = 16

def setup_inputs(seed: int = 0) -> dict:
    key = jax.random.key(seed)
    k1, k2, k3 = jax.random.split(key, 3)
    node_values = jax.random.normal(k1, (N, D), dtype=jnp.float32)
    node_indices = jnp.sort(jax.random.randint(k2, (N,), 0, B, dtype=jnp.int64))
    roots = jax.random.randint(k3, (B,), 0, N, dtype=jnp.int64)
    return {"node_values": node_values, "node_indices": node_indices, "roots": roots}

def segment_avgmax(values, segment_ids, num_segments):
    seg_sum = jax.ops.segment_sum(values, segment_ids, num_segments=num_segments)
    counts = jax.ops.segment_sum(jnp.ones((values.shape[0], 1), dtype=values.dtype), segment_ids, num_segments=num_segments)
    seg_avg = seg_sum / jnp.maximum(counts, 1.0)
    seg_max = jax.ops.segment_max(values, segment_ids, num_segments=num_segments)
    return jnp.concatenate([seg_avg, seg_max], axis=1)

def reference(node_values, node_indices, roots):
    bs = roots.shape[0]
    root_emb = jnp.take(node_values, roots, axis=0)
    # final_collapse == True
    state_embs = jnp.concatenate([segment_avgmax(node_values, node_indices, bs), root_emb], axis=1)
    return state_embs

if __name__ == "__main__":
    import jax
    _d = setup_inputs()
    print(jax.jit(kernel)(*tuple(_d.values())))

</pallas_src>

<mosaic_0001>
#map = affine_map<(d0, d1) -> (0, 0)>
#map1 = affine_map<(d0, d1) -> (0)>
module attributes {stable_mosaic.version = 14 : i64} {
  func.func @_state_embedding_kernel(%arg0: i32, %arg1: i32, %arg2: memref<32768x256xf32, #tpu.memory_space<hbm>>, %arg3: memref<32768xi32, #tpu.memory_space<hbm>>, %arg4: memref<16xi32, #tpu.memory_space<hbm>>, %arg5: memref<16x768xf32, #tpu.memory_space<hbm>>, %arg6: memref<32784xi32, #tpu.memory_space<vmem>>, %arg7: memref<512x128xf32, #tpu.memory_space<vmem>>, %arg8: memref<2x128xf32, #tpu.memory_space<vmem>>, %arg9: memref<16xi32, #tpu.memory_space<vmem>>, %arg10: memref<16x256xf32, #tpu.memory_space<vmem>>, %arg11: memref<!tpu.dma_semaphore, #tpu.memory_space<semaphore_mem>>, %arg12: memref<!tpu.dma_semaphore, #tpu.memory_space<semaphore_mem>>, %arg13: memref<!tpu.dma_semaphore, #tpu.memory_space<semaphore_mem>>) attributes {dimension_semantics = [#tpu.dimension_semantics<core_parallel>, #tpu.dimension_semantics<subcore_parallel>], iteration_bounds = array<i64: 2, 16>, scalar_prefetch = 0 : i64, scratch_operands = 8 : i64, tpu.core_type = #tpu.core_type<sc_vector_subcore>, window_params = [{transform_indices = #map}, {transform_indices = #map1}, {transform_indices = #map1}, {transform_indices = #map}]} {
    %mul3A = arith.constant 2 : i32
    %mul3A_0 = arith.muli %arg1, %mul3A : i32
    %add3A = arith.addi %mul3A_0, %arg0 : i32
    %shift_right_arithmetic3A = arith.constant 1 : i32
    %shift_right_arithmetic3A_1 = arith.shrsi %add3A, %shift_right_arithmetic3A : i32
    %and3A = arith.constant 1 : i32
    %and3A_2 = arith.andi %add3A, %and3A : i32
    %mul3A_3 = arith.constant 128 : i32
    %mul3A_4 = arith.muli %and3A_2, %mul3A_3 : i32
    %broadcast_in_dim3A = arith.constant 0.000000e+00 : f32
    %broadcast_in_dim3A_5 = vector.broadcast %broadcast_in_dim3A : f32 to vector<16xf32>
    %broadcast_in_dim3A_6 = arith.constant 0xFF800000 : f32
    %broadcast_in_dim3A_7 = vector.broadcast %broadcast_in_dim3A_6 : f32 to vector<16xf32>
    %eq3A = arith.constant 0 : i32
    %eq3A_8 = arith.cmpi eq, %add3A, %eq3A : i32
    %convert_element_type3A = arith.extui %eq3A_8 : i1 to i32
    %cond3A = arith.constant 0 : i32
    %cond3A_9 = arith.cmpi ne, %convert_element_type3A, %cond3A : i32
    scf.if %cond3A_9 {
      "tpu.region"() ({
        %run_scoped3A_205 = tpu.sem_alloc : memref<!tpu.dma_semaphore, #tpu.memory_space<semaphore_mem>>
        tpu.enqueue_dma source(%arg4 : memref<16xi32, #tpu.memory_space<hbm>>) target(%arg9 : memref<16xi32, #tpu.memory_space<vmem>>) target_semaphore(%run_scoped3A_205 : memref<!tpu.dma_semaphore, #tpu.memory_space<semaphore_mem>>)
        tpu.wait_dma2 semaphore(%run_scoped3A_205 : memref<!tpu.dma_semaphore, #tpu.memory_space<semaphore_mem>>) src(%arg4 : memref<16xi32, #tpu.memory_space<hbm>>) dst(%arg9 : memref<16xi32, #tpu.memory_space<vmem>>)
        tpu.yield
      }) : () -> ()
      %dma_start3A = arith.constant 0 : i32
      %dma_start3A_203 = arith.constant 0 : i32
      %dma_start3A_204 = tpu.memref_slice %arg2[%dma_start3A, %dma_start3A_203] : memref<32768x256xf32, #tpu.memory_space<hbm>> -> memref<32768x256xf32, #tpu.memory_space<hbm>>
      tpu.enqueue_indirect_dma source(%dma_start3A_204 : memref<32768x256xf32, #tpu.memory_space<hbm>>) target(%arg10 : memref<16x256xf32, #tpu.memory_space<vmem>>) offsets(%arg9 : memref<16xi32, #tpu.memory_space<vmem>>) semaphore(%arg13 : memref<!tpu.dma_semaphore, #tpu.memory_space<semaphore_mem>>)
    } else {
    }
    "tpu.region"() ({
      %run_scoped3A_203 = tpu.sem_alloc : memref<!tpu.dma_semaphore, #tpu.memory_space<semaphore_mem>>
      %dma_start3A = arith.constant 0 : i32
      %dma_start3A_204 = tpu.memref_slice %arg6[%dma_start3A] : memref<32784xi32, #tpu.memory_space<vmem>> -> memref<32768xi32, #tpu.memory_space<vmem>>
      %dma_start3A_205 = arith.constant 0 : i32
      %dma_start3A_206 = tpu.memref_slice %arg6[%dma_start3A_205] : memref<32784xi32, #tpu.memory_space<vmem>> -> memref<32768xi32, #tpu.memory_space<vmem>>
      tpu.enqueue_dma source(%arg3 : memref<32768xi32, #tpu.memory_space<hbm>>) target(%dma_start3A_206 : memref<32768xi32, #tpu.memory_space<vmem>>) target_semaphore(%run_scoped3A_203 : memref<!tpu.dma_semaphore, #tpu.memory_space<semaphore_mem>>)
      %dma_wait3A = arith.constant 0 : i32
      %dma_wait3A_207 = tpu.memref_slice %arg6[%dma_wait3A] : memref<32784xi32, #tpu.memory_space<vmem>> -> memref<32768xi32, #tpu.memory_space<vmem>>
      %dma_wait3A_208 = arith.constant 0 : i32
      %dma_wait3A_209 = tpu.memref_slice %arg6[%dma_wait3A_208] : memref<32784xi32, #tpu.memory_space<vmem>> -> memref<32768xi32, #tpu.memory_space<vmem>>
      tpu.wait_dma2 semaphore(%run_scoped3A_203 : memref<!tpu.dma_semaphore, #tpu.memory_space<semaphore_mem>>) src(%arg3 : memref<32768xi32, #tpu.memory_space<hbm>>) dst(%dma_wait3A_209 : memref<32768xi32, #tpu.memory_space<vmem>>)
      tpu.yield
    }) : () -> ()
    %broadcast_in_dim3A_10 = arith.constant 0 : i32
    %broadcast_in_dim3A_11 = vector.broadcast %broadcast_in_dim3A_10 : i32 to vector<16xi32>
    %add3A_12 = arith.constant 16 : i32
    %add3A_13 = vector.broadcast %add3A_12 : i32 to vector<16xi32>
    %add3A_14 = arith.addi %broadcast_in_dim3A_11, %add3A_13 : vector<16xi32>
    %swap3A = arith.constant 32768 : index
    %swap3A_15 = tpu.vector_load %arg6[%swap3A] {strides = array<i32>} : memref<32784xi32, #tpu.memory_space<vmem>>, vector<16xi32>,
    %swap3A_16 = vector.shape_cast %swap3A_15 : vector<16xi32> to vector<16xi32>
    %swap3A_17 = vector.shape_cast %add3A_14 : vector<16xi32> to vector<16xi32>
    tpu.vector_store %arg6[%swap3A], %swap3A_17 {strides = array<i32>} : memref<32784xi32, #tpu.memory_space<vmem>>, vector<16xi32>,
    %scan3A = arith.constant 0 : i32
    %scan3A_18 = arith.constant 32768 : i32
    %scan3A_19 = arith.constant 0 : i32
    %scan3A_20 = arith.constant 16 : i32
    %scan3A_21 = arith.addi %scan3A_19, %scan3A_20 : i32
    %scan3A_22 = arith.constant 1 : i32
    %scan3A_23:2 = scf.for %scan3A_203 = %scan3A_19 to %scan3A_21 step %scan3A_22 iter_args(%scan3A_204 = %scan3A, %scan3A_205 = %scan3A_18) -> (i32, i32)  : i32 {
      %add3A_206 = arith.addi %scan3A_204, %scan3A_205 : i32
      %shift_right_arithmetic3A_207 = arith.constant 1 : i32
      %shift_right_arithmetic3A_208 = arith.shrsi %add3A_206, %shift_right_arithmetic3A_207 : i32
      %get3A = arith.index_cast %shift_right_arithmetic3A_208 : i32 to index
      %get3A_209 = tpu.vector_load %arg6[%get3A] {strides = array<i32>} : memref<32784xi32, #tpu.memory_space<vmem>>, vector<16xi32>,
      %get3A_210 = vector.shape_cast %get3A_209 : vector<16xi32> to vector<16xi32>
      %slice3A = vector.extract_strided_slice %get3A_210 {offsets = [0], sizes = [1], strides = [1]} : vector<16xi32> to vector<1xi32>
      %squeeze3A = vector.extract %slice3A[0] : i32 from vector<1xi32>
      %lt3A = arith.cmpi slt, %squeeze3A, %shift_right_arithmetic3A_1 : i32
      %add3A_211 = arith.constant 1 : i32
      %add3A_212 = arith.addi %shift_right_arithmetic3A_208, %add3A_211 : i32
      %select_n3A = arith.select %lt3A, %add3A_212, %scan3A_204 : i32
      %select_n3A_213 = arith.select %lt3A, %scan3A_205, %shift_right_arithmetic3A_208 : i32
      scf.yield %select_n3A, %select_n3A_213 : i32, i32
    }
    %scan3A_24 = arith.constant 16 : i32
    %add3A_25 = arith.constant 1 : i32
    %add3A_26 = arith.addi %shift_right_arithmetic3A_1, %add3A_25 : i32
    %scan3A_27 = arith.constant 0 : i32
    %scan3A_28 = arith.constant 32768 : i32
    %scan3A_29 = arith.constant 0 : i32
    %scan3A_30 = arith.constant 16 : i32
    %scan3A_31 = arith.addi %scan3A_29, %scan3A_30 : i32
    %scan3A_32 = arith.constant 1 : i32
    %scan3A_33:2 = scf.for %scan3A_203 = %scan3A_29 to %scan3A_31 step %scan3A_32 iter_args(%scan3A_204 = %scan3A_27, %scan3A_205 = %scan3A_28) -> (i32, i32)  : i32 {
      %add3A_206 = arith.addi %scan3A_204, %scan3A_205 : i32
      %shift_right_arithmetic3A_207 = arith.constant 1 : i32
      %shift_right_arithmetic3A_208 = arith.shrsi %add3A_206, %shift_right_arithmetic3A_207 : i32
      %get3A = arith.index_cast %shift_right_arithmetic3A_208 : i32 to index
      %get3A_209 = tpu.vector_load %arg6[%get3A] {strides = array<i32>} : memref<32784xi32, #tpu.memory_space<vmem>>, vector<16xi32>,
      %get3A_210 = vector.shape_cast %get3A_209 : vector<16xi32> to vector<16xi32>
      %slice3A = vector.extract_strided_slice %get3A_210 {offsets = [0], sizes = [1], strides = [1]} : vector<16xi32> to vector<1xi32>
      %squeeze3A = vector.extract %slice3A[0] : i32 from vector<1xi32>
      %lt3A = arith.cmpi slt, %squeeze3A, %add3A_26 : i32
      %add3A_211 = arith.constant 1 : i32
      %add3A_212 = arith.addi %shift_right_arithmetic3A_208, %add3A_211 : i32
      %select_n3A = arith.select %lt3A, %add3A_212, %scan3A_204 : i32
      %select_n3A_213 = arith.select %lt3A, %scan3A_205, %shift_right_arithmetic3A_208 : i32
      scf.yield %select_n3A, %select_n3A_213 : i32, i32
    }
    %scan3A_34 = arith.constant 16 : i32
    %shift_right_arithmetic3A_35 = arith.constant 8 : i32
    %shift_right_arithmetic3A_36 = arith.shrsi %scan3A_23#0, %shift_right_arithmetic3A_35 : i32
    %add3A_37 = arith.constant 255 : i32
    %add3A_38 = arith.addi %scan3A_33#0, %add3A_37 : i32
    %shift_right_arithmetic3A_39 = arith.constant 8 : i32
    %shift_right_arithmetic3A_40 = arith.shrsi %add3A_38, %shift_right_arithmetic3A_39 : i32
    %sub3A = arith.subi %shift_right_arithmetic3A_40, %shift_right_arithmetic3A_36 : i32
    %gt3A = arith.constant 0 : i32
    %gt3A_41 = arith.cmpi sgt, %sub3A, %gt3A : i32
    %convert_element_type3A_42 = arith.extui %gt3A_41 : i1 to i32
    %cond3A_43 = arith.constant 0 : i32
    %cond3A_44 = arith.cmpi ne, %convert_element_type3A_42, %cond3A_43 : i32
    scf.if %cond3A_44 {
      %and3A_203 = arith.constant 0 : i32
      %and3A_204 = arith.constant 1 : i32
      %and3A_205 = arith.andi %and3A_203, %and3A_204 : i32
      %eq3A_206 = arith.constant 0 : i32
      %eq3A_207 = arith.cmpi eq, %and3A_205, %eq3A_206 : i32
      %convert_element_type3A_208 = arith.extui %eq3A_207 : i1 to i32
      %cond3A_209 = arith.constant 0 : i32
      %cond3A_210 = arith.constant 0 : i32
      %cond3A_211 = arith.cmpi ne, %convert_element_type3A_208, %cond3A_210 : i32
      scf.if %cond3A_211 {
        %add3A_221 = arith.addi %shift_right_arithmetic3A_36, %cond3A_209 : i32
        %mul3A_222 = arith.constant 256 : i32
        %mul3A_223 = arith.muli %add3A_221, %mul3A_222 : i32
        %dma_start3A = arith.constant 0 : i32
        %dma_start3A_224 = arith.constant 0 : i32
        %dma_start3A_225 = tpu.memref_slice %arg7[%dma_start3A, %dma_start3A_224] : memref<512x128xf32, #tpu.memory_space<vmem>> -> memref<256x128xf32, #tpu.memory_space<vmem>>
        %dma_start3A_226 = tpu.memref_slice %arg2[%mul3A_223, %mul3A_4] : memref<32768x256xf32, #tpu.memory_space<hbm>> -> memref<256x128xf32, #tpu.memory_space<hbm>>
        %dma_start3A_227 = arith.constant 0 : i32
        %dma_start3A_228 = arith.constant 0 : i32
        %dma_start3A_229 = tpu.memref_slice %arg7[%dma_start3A_227, %dma_start3A_228] : memref<512x128xf32, #tpu.memory_space<vmem>> -> memref<256x128xf32, #tpu.memory_space<vmem>>
        %dma_start3A_230 = tpu.memref_slice %arg2[%mul3A_223, %mul3A_4] : memref<32768x256xf32, #tpu.memory_space<hbm>> -> memref<256x128xf32, #tpu.memory_space<hbm>>
        tpu.enqueue_dma source(%dma_start3A_230 : memref<256x128xf32, #tpu.memory_space<hbm>>) target(%dma_start3A_229 : memref<256x128xf32, #tpu.memory_space<vmem>>) target_semaphore(%arg11 : memref<!tpu.dma_semaphore, #tpu.memory_space<semaphore_mem>>)
      } else {
      }
      %and3A_212 = arith.constant 0 : i32
      %and3A_213 = arith.constant 1 : i32
      %and3A_214 = arith.andi %and3A_212, %and3A_213 : i32
      %eq3A_215 = arith.constant 1 : i32
      %eq3A_216 = arith.cmpi eq, %and3A_214, %eq3A_215 : i32
      %convert_element_type3A_217 = arith.extui %eq3A_216 : i1 to i32
      %cond3A_218 = arith.constant 0 : i32
      %cond3A_219 = arith.constant 0 : i32
      %cond3A_220 = arith.cmpi ne, %convert_element_type3A_217, %cond3A_219 : i32
      scf.if %cond3A_220 {
        %add3A_221 = arith.addi %shift_right_arithmetic3A_36, %cond3A_218 : i32
        %mul3A_222 = arith.constant 256 : i32
        %mul3A_223 = arith.muli %add3A_221, %mul3A_222 : i32
        %dma_start3A = arith.constant 256 : i32
        %dma_start3A_224 = arith.constant 0 : i32
        %dma_start3A_225 = tpu.memref_slice %arg7[%dma_start3A, %dma_start3A_224] : memref<512x128xf32, #tpu.memory_space<vmem>> -> memref<256x128xf32, #tpu.memory_space<vmem>>
        %dma_start3A_226 = tpu.memref_slice %arg2[%mul3A_223, %mul3A_4] : memref<32768x256xf32, #tpu.memory_space<hbm>> -> memref<256x128xf32, #tpu.memory_space<hbm>>
        %dma_start3A_227 = arith.constant 256 : i32
        %dma_start3A_228 = arith.constant 0 : i32
        %dma_start3A_229 = tpu.memref_slice %arg7[%dma_start3A_227, %dma_start3A_228] : memref<512x128xf32, #tpu.memory_space<vmem>> -> memref<256x128xf32, #tpu.memory_space<vmem>>
        %dma_start3A_230 = tpu.memref_slice %arg2[%mul3A_223, %mul3A_4] : memref<32768x256xf32, #tpu.memory_space<hbm>> -> memref<256x128xf32, #tpu.memory_space<hbm>>
        tpu.enqueue_dma source(%dma_start3A_230 : memref<256x128xf32, #tpu.memory_space<hbm>>) target(%dma_start3A_229 : memref<256x128xf32, #tpu.memory_space<vmem>>) target_semaphore(%arg12 : memref<!tpu.dma_semaphore, #tpu.memory_space<semaphore_mem>>)
      } else {
      }
    } else {
    }
    %min3A = arith.constant 1 : i32
    %min3A_45 = arith.minsi %sub3A, %min3A : i32
    %while3A = arith.constant 0 : i32
    %while3A_46 = arith.subi %min3A_45, %while3A : i32
    %while3A_47 = arith.addi %while3A, %while3A_46 : i32
    %while3A_48 = arith.constant 1 : i32
    %while3A_49 = arith.divsi %while3A_46, %while3A_48 : i32
    %while3A_50 = arith.muli %while3A_49, %while3A_48 : i32
    %while3A_51 = arith.addi %while3A, %while3A_50 : i32
    %while3A_52 = arith.constant 1 : i32
    %while3A_53:16 = scf.for %while3A_203 = %while3A to %while3A_51 step %while3A_52 iter_args(%while3A_204 = %broadcast_in_dim3A_5, %while3A_205 = %broadcast_in_dim3A_5, %while3A_206 = %broadcast_in_dim3A_5, %while3A_207 = %broadcast_in_dim3A_5, %while3A_208 = %broadcast_in_dim3A_5, %while3A_209 = %broadcast_in_dim3A_5, %while3A_210 = %broadcast_in_dim3A_5, %while3A_211 = %broadcast_in_dim3A_5, %while3A_212 = %broadcast_in_dim3A_7, %while3A_213 = %broadcast_in_dim3A_7, %while3A_214 = %broadcast_in_dim3A_7, %while3A_215 = %broadcast_in_dim3A_7, %while3A_216 = %broadcast_in_dim3A_7, %while3A_217 = %broadcast_in_dim3A_7, %while3A_218 = %broadcast_in_dim3A_7, %while3A_219 = %broadcast_in_dim3A_7) -> (vector<16xf32>, vector<16xf32>, vector<16xf32>, vector<16xf32>, vector<16xf32>, vector<16xf32>, vector<16xf32>, vector<16xf32>, vector<16xf32>, vector<16xf32>, vector<16xf32>, vector<16xf32>, vector<16xf32>, vector<16xf32>, vector<16xf32>, vector<16xf32>)  : i32 {
      %add3A_220 = arith.constant 1 : i32
      %add3A_221 = arith.addi %while3A_203, %add3A_220 : i32
      %lt3A = arith.cmpi slt, %add3A_221, %sub3A : i32
      %convert_element_type3A_222 = arith.extui %lt3A : i1 to i32
      %cond3A_223 = arith.constant 0 : i32
      %cond3A_224 = arith.cmpi ne, %convert_element_type3A_222, %cond3A_223 : i32
      scf.if %cond3A_224 {
        %add3A_250 = arith.constant 1 : i32
        %add3A_251 = arith.addi %while3A_203, %add3A_250 : i32
        %and3A_252 = arith.constant 1 : i32
        %and3A_253 = arith.andi %add3A_251, %and3A_252 : i32
        %eq3A_254 = arith.constant 0 : i32
        %eq3A_255 = arith.cmpi eq, %and3A_253, %eq3A_254 : i32
        %convert_element_type3A_256 = arith.extui %eq3A_255 : i1 to i32
        %cond3A_257 = arith.constant 0 : i32
        %cond3A_258 = arith.cmpi ne, %convert_element_type3A_256, %cond3A_257 : i32
        scf.if %cond3A_258 {
          %add3A_266 = arith.addi %shift_right_arithmetic3A_36, %add3A_251 : i32
          %mul3A_267 = arith.constant 256 : i32
          %mul3A_268 = arith.muli %add3A_266, %mul3A_267 : i32
          %dma_start3A = arith.constant 0 : i32
          %dma_start3A_269 = arith.constant 0 : i32
          %dma_start3A_270 = tpu.memref_slice %arg7[%dma_start3A, %dma_start3A_269] : memref<512x128xf32, #tpu.memory_space<vmem>> -> memref<256x128xf32, #tpu.memory_space<vmem>>
          %dma_start3A_271 = tpu.memref_slice %arg2[%mul3A_268, %mul3A_4] : memref<32768x256xf32, #tpu.memory_space<hbm>> -> memref<256x128xf32, #tpu.memory_space<hbm>>
          %dma_start3A_272 = arith.constant 0 : i32
          %dma_start3A_273 = arith.constant 0 : i32
          %dma_start3A_274 = tpu.memref_slice %arg7[%dma_start3A_272, %dma_start3A_273] : memref<512x128xf32, #tpu.memory_space<vmem>> -> memref<256x128xf32, #tpu.memory_space<vmem>>
          %dma_start3A_275 = tpu.memref_slice %arg2[%mul3A_268, %mul3A_4] : memref<32768x256xf32, #tpu.memory_space<hbm>> -> memref<256x128xf32, #tpu.memory_space<hbm>>
          tpu.enqueue_dma source(%dma_start3A_275 : memref<256x128xf32, #tpu.memory_space<hbm>>) target(%dma_start3A_274 : memref<256x128xf32, #tpu.memory_space<vmem>>) target_semaphore(%arg11 : memref<!tpu.dma_semaphore, #tpu.memory_space<semaphore_mem>>)
        } else {
        }
        %and3A_259 = arith.constant 1 : i32
        %and3A_260 = arith.andi %add3A_251, %and3A_259 : i32
        %eq3A_261 = arith.constant 1 : i32
        %eq3A_262 = arith.cmpi eq, %and3A_260, %eq3A_261 : i32
        %convert_element_type3A_263 = arith.extui %eq3A_262 : i1 to i32
        %cond3A_264 = arith.constant 0 : i32
        %cond3A_265 = arith.cmpi ne, %convert_element_type3A_263, %cond3A_264 : i32
        scf.if %cond3A_265 {
          %add3A_266 = arith.addi %shift_right_arithmetic3A_36, %add3A_251 : i32
          %mul3A_267 = arith.constant 256 : i32
          %mul3A_268 = arith.muli %add3A_266, %mul3A_267 : i32
          %dma_start3A = arith.constant 256 : i32
          %dma_start3A_269 = arith.constant 0 : i32
          %dma_start3A_270 = tpu.memref_slice %arg7[%dma_start3A, %dma_start3A_269] : memref<512x128xf32, #tpu.memory_space<vmem>> -> memref<256x128xf32, #tpu.memory_space<vmem>>
          %dma_start3A_271 = tpu.memref_slice %arg2[%mul3A_268, %mul3A_4] : memref<32768x256xf32, #tpu.memory_space<hbm>> -> memref<256x128xf32, #tpu.memory_space<hbm>>
          %dma_start3A_272 = arith.constant 256 : i32
          %dma_start3A_273 = arith.constant 0 : i32
          %dma_start3A_274 = tpu.memref_slice %arg7[%dma_start3A_272, %dma_start3A_273] : memref<512x128xf32, #tpu.memory_space<vmem>> -> memref<256x128xf32, #tpu.memory_space<vmem>>
          %dma_start3A_275 = tpu.memref_slice %arg2[%mul3A_268, %mul3A_4] : memref<32768x256xf32, #tpu.memory_space<hbm>> -> memref<256x128xf32, #tpu.memory_space<hbm>>
          tpu.enqueue_dma source(%dma_start3A_275 : memref<256x128xf32, #tpu.memory_space<hbm>>) target(%dma_start3A_274 : memref<256x128xf32, #tpu.memory_space<vmem>>) target_semaphore(%arg12 : memref<!tpu.dma_semaphore, #tpu.memory_space<semaphore_mem>>)
        } else {
        }
      } else {
      }
      %and3A_225 = arith.constant 1 : i32
      %and3A_226 = arith.andi %while3A_203, %and3A_225 : i32
      %eq3A_227 = arith.constant 0 : i32
      %eq3A_228 = arith.cmpi eq, %and3A_226, %eq3A_227 : i32
      %convert_element_type3A_229 = arith.extui %eq3A_228 : i1 to i32
      %cond3A_230 = arith.constant 0 : i32
      %cond3A_231 = arith.cmpi ne, %convert_element_type3A_229, %cond3A_230 : i32
      scf.if %cond3A_231 {
        %add3A_250 = arith.addi %shift_right_arithmetic3A_36, %while3A_203 : i32
        %mul3A_251 = arith.constant 256 : i32
        %mul3A_252 = arith.muli %add3A_250, %mul3A_251 : i32
        %dma_wait3A = arith.constant 0 : i32
        %dma_wait3A_253 = arith.constant 0 : i32
        %dma_wait3A_254 = tpu.memref_slice %arg7[%dma_wait3A, %dma_wait3A_253] : memref<512x128xf32, #tpu.memory_space<vmem>> -> memref<256x128xf32, #tpu.memory_space<vmem>>
        %dma_wait3A_255 = tpu.memref_slice %arg2[%mul3A_252, %mul3A_4] : memref<32768x256xf32, #tpu.memory_space<hbm>> -> memref<256x128xf32, #tpu.memory_space<hbm>>
        %dma_wait3A_256 = arith.constant 0 : i32
        %dma_wait3A_257 = arith.constant 0 : i32
        %dma_wait3A_258 = tpu.memref_slice %arg7[%dma_wait3A_256, %dma_wait3A_257] : memref<512x128xf32, #tpu.memory_space<vmem>> -> memref<256x128xf32, #tpu.memory_space<vmem>>
        %dma_wait3A_259 = tpu.memref_slice %arg2[%mul3A_252, %mul3A_4] : memref<32768x256xf32, #tpu.memory_space<hbm>> -> memref<256x128xf32, #tpu.memory_space<hbm>>
        tpu.wait_dma2 semaphore(%arg11 : memref<!tpu.dma_semaphore, #tpu.memory_space<semaphore_mem>>) src(%dma_wait3A_259 : memref<256x128xf32, #tpu.memory_space<hbm>>) dst(%dma_wait3A_258 : memref<256x128xf32, #tpu.memory_space<vmem>>)
      } else {
      }
      %and3A_232 = arith.constant 1 : i32
      %and3A_233 = arith.andi %while3A_203, %and3A_232 : i32
      %eq3A_234 = arith.constant 1 : i32
      %eq3A_235 = arith.cmpi eq, %and3A_233, %eq3A_234 : i32
      %convert_element_type3A_236 = arith.extui %eq3A_235 : i1 to i32
      %cond3A_237 = arith.constant 0 : i32
      %cond3A_238 = arith.cmpi ne, %convert_element_type3A_236, %cond3A_237 : i32
      scf.if %cond3A_238 {
        %add3A_250 = arith.addi %shift_right_arithmetic3A_36, %while3A_203 : i32
        %mul3A_251 = arith.constant 256 : i32
        %mul3A_252 = arith.muli %add3A_250, %mul3A_251 : i32
        %dma_wait3A = arith.constant 256 : i32
        %dma_wait3A_253 = arith.constant 0 : i32
        %dma_wait3A_254 = tpu.memref_slice %arg7[%dma_wait3A, %dma_wait3A_253] : memref<512x128xf32, #tpu.memory_space<vmem>> -> memref<256x128xf32, #tpu.memory_space<vmem>>
        %dma_wait3A_255 = tpu.memref_slice %arg2[%mul3A_252, %mul3A_4] : memref<32768x256xf32, #tpu.memory_space<hbm>> -> memref<256x128xf32, #tpu.memory_space<hbm>>
        %dma_wait3A_256 = arith.constant 256 : i32
        %dma_wait3A_257 = arith.constant 0 : i32
        %dma_wait3A_258 = tpu.memref_slice %arg7[%dma_wait3A_256, %dma_wait3A_257] : memref<512x128xf32, #tpu.memory_space<vmem>> -> memref<256x128xf32, #tpu.memory_space<vmem>>
        %dma_wait3A_259 = tpu.memref_slice %arg2[%mul3A_252, %mul3A_4] : memref<32768x256xf32, #tpu.memory_space<hbm>> -> memref<256x128xf32, #tpu.memory_space<hbm>>
        tpu.wait_dma2 semaphore(%arg12 : memref<!tpu.dma_semaphore, #tpu.memory_space<semaphore_mem>>) src(%dma_wait3A_259 : memref<256x128xf32, #tpu.memory_space<hbm>>) dst(%dma_wait3A_258 : memref<256x128xf32, #tpu.memory_space<vmem>>)
      } else {
      }
      %add3A_239 = arith.addi %shift_right_arithmetic3A_36, %while3A_203 : i32
      %and3A_240 = arith.constant 1 : i32
      %and3A_241 = arith.andi %while3A_203, %and3A_240 : i32
      %mul3A_242 = arith.constant 256 : i32
      %mul3A_243 = arith.muli %and3A_241, %mul3A_242 : i32
      %scan3A_244 = arith.constant 0 : i32
      %scan3A_245 = arith.constant 256 : i32
      %scan3A_246 = arith.addi %scan3A_244, %scan3A_245 : i32
      %scan3A_247 = arith.constant 1 : i32
      %scan3A_248:16 = scf.for %scan3A_250 = %scan3A_244 to %scan3A_246 step %scan3A_247 iter_args(%scan3A_251 = %while3A_204, %scan3A_252 = %while3A_205, %scan3A_253 = %while3A_206, %scan3A_254 = %while3A_207, %scan3A_255 = %while3A_208, %scan3A_256 = %while3A_209, %scan3A_257 = %while3A_210, %scan3A_258 = %while3A_211, %scan3A_259 = %while3A_212, %scan3A_260 = %while3A_213, %scan3A_261 = %while3A_214, %scan3A_262 = %while3A_215, %scan3A_263 = %while3A_216, %scan3A_264 = %while3A_217, %scan3A_265 = %while3A_218, %scan3A_266 = %while3A_219) -> (vector<16xf32>, vector<16xf32>, vector<16xf32>, vector<16xf32>, vector<16xf32>, vector<16xf32>, vector<16xf32>, vector<16xf32>, vector<16xf32>, vector<16xf32>, vector<16xf32>, vector<16xf32>, vector<16xf32>, vector<16xf32>, vector<16xf32>, vector<16xf32>)  : i32 {
        %mul3A_267 = arith.constant 256 : i32
        %mul3A_268 = arith.muli %add3A_239, %mul3A_267 : i32
        %add3A_269 = arith.addi %mul3A_268, %scan3A_250 : i32
        %ge3A = arith.cmpi sge, %add3A_269, %scan3A_23#0 : i32
        %lt3A_270 = arith.cmpi slt, %add3A_269, %scan3A_33#0 : i32
        %and3A_271 = arith.andi %ge3A, %lt3A_270 : i1
        %jit3A = arith.constant 1.000000e+00 : f32
        %jit3A_272 = arith.constant 0.000000e+00 : f32
        %select_n3A = arith.select %and3A_271, %jit3A, %jit3A_272 : f32
        %add3A_273 = vector.broadcast %select_n3A : f32 to vector<16xf32>
        %add3A_274 = arith.addf %add3A_273, %broadcast_in_dim3A_5 : vector<16xf32>
        %jit3A_275 = arith.constant 0.000000e+00 : f32
        %jit3A_276 = arith.constant 0xFF800000 : f32
        %select_n3A_277 = arith.select %and3A_271, %jit3A_275, %jit3A_276 : f32
        %add3A_278 = vector.broadcast %select_n3A_277 : f32 to vector<16xf32>
        %add3A_279 = arith.addf %add3A_278, %broadcast_in_dim3A_5 : vector<16xf32>
        %add3A_280 = arith.addi %mul3A_243, %scan3A_250 : i32
        %get3A = arith.index_cast %add3A_280 : i32 to index
        %get3A_281 = arith.constant 0 : index
        %get3A_282 = tpu.vector_load %arg7[%get3A, %get3A_281] {strides = array<i32>} : memref<512x128xf32, #tpu.memory_space<vmem>>, vector<1x16xf32>,
        %get3A_283 = vector.shape_cast %get3A_282 : vector<1x16xf32> to vector<16xf32>
        %mul3A_284 = arith.mulf %get3A_283, %add3A_274 : vector<16xf32>
        %add3A_285 = arith.addf %scan3A_251, %mul3A_284 : vector<16xf32>
        %add3A_286 = arith.addf %get3A_283, %add3A_279 : vector<16xf32>
        %max3A_287 = arith.maximumf %scan3A_259, %add3A_286 : vector<16xf32>
        %add3A_288 = arith.addi %mul3A_243, %scan3A_250 : i32
        %get3A_289 = arith.index_cast %add3A_288 : i32 to index
        %get3A_290 = arith.constant 16 : index
        %get3A_291 = tpu.vector_load %arg7[%get3A_289, %get3A_290] {strides = array<i32>} : memref<512x128xf32, #tpu.memory_space<vmem>>, vector<1x16xf32>,
        %get3A_292 = vector.shape_cast %get3A_291 : vector<1x16xf32> to vector<16xf32>
        %mul3A_293 = arith.mulf %get3A_292, %add3A_274 : vector<16xf32>
        %add3A_294 = arith.addf %scan3A_252, %mul3A_293 : vector<16xf32>
        %add3A_295 = arith.addf %get3A_292, %add3A_279 : vector<16xf32>
        %max3A_296 = arith.maximumf %scan3A_260, %add3A_295 : vector<16xf32>
        %add3A_297 = arith.addi %mul3A_243, %scan3A_250 : i32
        %get3A_298 = arith.index_cast %add3A_297 : i32 to index
        %get3A_299 = arith.constant 32 : index
        %get3A_300 = tpu.vector_load %arg7[%get3A_298, %get3A_299] {strides = array<i32>} : memref<512x128xf32, #tpu.memory_space<vmem>>, vector<1x16xf32>,
        %get3A_301 = vector.shape_cast %get3A_300 : vector<1x16xf32> to vector<16xf32>
        %mul3A_302 = arith.mulf %get3A_301, %add3A_274 : vector<16xf32>
        %add3A_303 = arith.addf %scan3A_253, %mul3A_302 : vector<16xf32>
        %add3A_304 = arith.addf %get3A_301, %add3A_279 : vector<16xf32>
        %max3A_305 = arith.maximumf %scan3A_261, %add3A_304 : vector<16xf32>
        %add3A_306 = arith.addi %mul3A_243, %scan3A_250 : i32
        %get3A_307 = arith.index_cast %add3A_306 : i32 to index
        %get3A_308 = arith.constant 48 : index
        %get3A_309 = tpu.vector_load %arg7[%get3A_307, %get3A_308] {strides = array<i32>} : memref<512x128xf32, #tpu.memory_space<vmem>>, vector<1x16xf32>,
        %get3A_310 = vector.shape_cast %get3A_309 : vector<1x16xf32> to vector<16xf32>
        %mul3A_311 = arith.mulf %get3A_310, %add3A_274 : vector<16xf32>
        %add3A_312 = arith.addf %scan3A_254, %mul3A_311 : vector<16xf32>
        %add3A_313 = arith.addf %get3A_310, %add3A_279 : vector<16xf32>
        %max3A_314 = arith.maximumf %scan3A_262, %add3A_313 : vector<16xf32>
        %add3A_315 = arith.addi %mul3A_243, %scan3A_250 : i32
        %get3A_316 = arith.index_cast %add3A_315 : i32 to index
        %get3A_317 = arith.constant 64 : index
        %get3A_318 = tpu.vector_load %arg7[%get3A_316, %get3A_317] {strides = array<i32>} : memref<512x128xf32, #tpu.memory_space<vmem>>, vector<1x16xf32>,
        %get3A_319 = vector.shape_cast %get3A_318 : vector<1x16xf32> to vector<16xf32>
        %mul3A_320 = arith.mulf %get3A_319, %add3A_274 : vector<16xf32>
        %add3A_321 = arith.addf %scan3A_255, %mul3A_320 : vector<16xf32>
        %add3A_322 = arith.addf %get3A_319, %add3A_279 : vector<16xf32>
        %max3A_323 = arith.maximumf %scan3A_263, %add3A_322 : vector<16xf32>
        %add3A_324 = arith.addi %mul3A_243, %scan3A_250 : i32
        %get3A_325 = arith.index_cast %add3A_324 : i32 to index
        %get3A_326 = arith.constant 80 : index
        %get3A_327 = tpu.vector_load %arg7[%get3A_325, %get3A_326] {strides = array<i32>} : memref<512x128xf32, #tpu.memory_space<vmem>>, vector<1x16xf32>,
        %get3A_328 = vector.shape_cast %get3A_327 : vector<1x16xf32> to vector<16xf32>
        %mul3A_329 = arith.mulf %get3A_328, %add3A_274 : vector<16xf32>
        %add3A_330 = arith.addf %scan3A_256, %mul3A_329 : vector<16xf32>
        %add3A_331 = arith.addf %get3A_328, %add3A_279 : vector<16xf32>
        %max3A_332 = arith.maximumf %scan3A_264, %add3A_331 : vector<16xf32>
        %add3A_333 = arith.addi %mul3A_243, %scan3A_250 : i32
        %get3A_334 = arith.index_cast %add3A_333 : i32 to index
        %get3A_335 = arith.constant 96 : index
        %get3A_336 = tpu.vector_load %arg7[%get3A_334, %get3A_335] {strides = array<i32>} : memref<512x128xf32, #tpu.memory_space<vmem>>, vector<1x16xf32>,
        %get3A_337 = vector.shape_cast %get3A_336 : vector<1x16xf32> to vector<16xf32>
        %mul3A_338 = arith.mulf %get3A_337, %add3A_274 : vector<16xf32>
        %add3A_339 = arith.addf %scan3A_257, %mul3A_338 : vector<16xf32>
        %add3A_340 = arith.addf %get3A_337, %add3A_279 : vector<16xf32>
        %max3A_341 = arith.maximumf %scan3A_265, %add3A_340 : vector<16xf32>
        %add3A_342 = arith.addi %mul3A_243, %scan3A_250 : i32
        %get3A_343 = arith.index_cast %add3A_342 : i32 to index
        %get3A_344 = arith.constant 112 : index
        %get3A_345 = tpu.vector_load %arg7[%get3A_343, %get3A_344] {strides = array<i32>} : memref<512x128xf32, #tpu.memory_space<vmem>>, vector<1x16xf32>,
        %get3A_346 = vector.shape_cast %get3A_345 : vector<1x16xf32> to vector<16xf32>
        %mul3A_347 = arith.mulf %get3A_346, %add3A_274 : vector<16xf32>
        %add3A_348 = arith.addf %scan3A_258, %mul3A_347 : vector<16xf32>
        %add3A_349 = arith.addf %get3A_346, %add3A_279 : vector<16xf32>
        %max3A_350 = arith.maximumf %scan3A_266, %add3A_349 : vector<16xf32>
        scf.yield %add3A_285, %add3A_294, %add3A_303, %add3A_312, %add3A_321, %add3A_330, %add3A_339, %add3A_348, %max3A_287, %max3A_296, %max3A_305, %max3A_314, %max3A_323, %max3A_332, %max3A_341, %max3A_350 : vector<16xf32>, vector<16xf32>, vector<16xf32>, vector<16xf32>, vector<16xf32>, vector<16xf32>, vector<16xf32>, vector<16xf32>, vector<16xf32>, vector<16xf32>, vector<16xf32>, vector<16xf32>, vector<16xf32>, vector<16xf32>, vector<16xf32>, vector<16xf32>
      }
      %scan3A_249 = arith.constant 256 : i32
      scf.yield %scan3A_248#0, %scan3A_248#1, %scan3A_248#2, %scan3A_248#3, %scan3A_248#4, %scan3A_248#5, %scan3A_248#6, %scan3A_248#7, %scan3A_248#8, %scan3A_248#9, %scan3A_248#10, %scan3A_248#11, %scan3A_248#12, %scan3A_248#13, %scan3A_248#14, %scan3A_248#15 : vector<16xf32>, vector<16xf32>, vector<16xf32>, vector<16xf32>, vector<16xf32>, vector<16xf32>, vector<16xf32>, vector<16xf32>, vector<16xf32>, vector<16xf32>, vector<16xf32>, vector<16xf32>, vector<16xf32>, vector<16xf32>, vector<16xf32>, vector<16xf32>
    }
    %while3A_54 = arith.constant 1 : i32
    %while3A_55:16 = scf.for %while3A_203 = %while3A_51 to %while3A_47 step %while3A_54 iter_args(%while3A_204 = %while3A_53#0, %while3A_205 = %while3A_53#1, %while3A_206 = %while3A_53#2, %while3A_207 = %while3A_53#3, %while3A_208 = %while3A_53#4, %while3A_209 = %while3A_53#5, %while3A_210 = %while3A_53#6, %while3A_211 = %while3A_53#7, %while3A_212 = %while3A_53#8, %while3A_213 = %while3A_53#9, %while3A_214 = %while3A_53#10, %while3A_215 = %while3A_53#11, %while3A_216 = %while3A_53#12, %while3A_217 = %while3A_53#13, %while3A_218 = %while3A_53#14, %while3A_219 = %while3A_53#15) -> (vector<16xf32>, vector<16xf32>, vector<16xf32>, vector<16xf32>, vector<16xf32>, vector<16xf32>, vector<16xf32>, vector<16xf32>, vector<16xf32>, vector<16xf32>, vector<16xf32>, vector<16xf32>, vector<16xf32>, vector<16xf32>, vector<16xf32>, vector<16xf32>)  : i32 {
      %add3A_220 = arith.constant 1 : i32
      %add3A_221 = arith.addi %while3A_203, %add3A_220 : i32
      %lt3A = arith.cmpi slt, %add3A_221, %sub3A : i32
      %convert_element_type3A_222 = arith.extui %lt3A : i1 to i32
      %cond3A_223 = arith.constant 0 : i32
      %cond3A_224 = arith.cmpi ne, %convert_element_type3A_222, %cond3A_223 : i32
      scf.if %cond3A_224 {
        %add3A_250 = arith.constant 1 : i32
        %add3A_251 = arith.addi %while3A_203, %add3A_250 : i32
        %and3A_252 = arith.constant 1 : i32
        %and3A_253 = arith.andi %add3A_251, %and3A_252 : i32
        %eq3A_254 = arith.constant 0 : i32
        %eq3A_255 = arith.cmpi eq, %and3A_253, %eq3A_254 : i32
        %convert_element_type3A_256 = arith.extui %eq3A_255 : i1 to i32
        %cond3A_257 = arith.constant 0 : i32
        %cond3A_258 = arith.cmpi ne, %convert_element_type3A_256, %cond3A_257 : i32
        scf.if %cond3A_258 {
          %add3A_266 = arith.addi %shift_right_arithmetic3A_36, %add3A_251 : i32
          %mul3A_267 = arith.constant 256 : i32
          %mul3A_268 = arith.muli %add3A_266, %mul3A_267 : i32
          %dma_start3A = arith.constant 0 : i32
          %dma_start3A_269 = arith.constant 0 : i32
          %dma_start3A_270 = tpu.memref_slice %arg7[%dma_start3A, %dma_start3A_269] : memref<512x128xf32, #tpu.memory_space<vmem>> -> memref<256x128xf32, #tpu.memory_space<vmem>>
          %dma_start3A_271 = tpu.memref_slice %arg2[%mul3A_268, %mul3A_4] : memref<32768x256xf32, #tpu.memory_space<hbm>> -> memref<256x128xf32, #tpu.memory_space<hbm>>
          %dma_start3A_272 = arith.constant 0 : i32
          %dma_start3A_273 = arith.constant 0 : i32
          %dma_start3A_274 = tpu.memref_slice %arg7[%dma_start3A_272, %dma_start3A_273] : memref<512x128xf32, #tpu.memory_space<vmem>> -> memref<256x128xf32, #tpu.memory_space<vmem>>
          %dma_start3A_275 = tpu.memref_slice %arg2[%mul3A_268, %mul3A_4] : memref<32768x256xf32, #tpu.memory_space<hbm>> -> memref<256x128xf32, #tpu.memory_space<hbm>>
          tpu.enqueue_dma source(%dma_start3A_275 : memref<256x128xf32, #tpu.memory_space<hbm>>) target(%dma_start3A_274 : memref<256x128xf32, #tpu.memory_space<vmem>>) target_semaphore(%arg11 : memref<!tpu.dma_semaphore, #tpu.memory_space<semaphore_mem>>)
        } else {
        }
        %and3A_259 = arith.constant 1 : i32
        %and3A_260 = arith.andi %add3A_251, %and3A_259 : i32
        %eq3A_261 = arith.constant 1 : i32
        %eq3A_262 = arith.cmpi eq, %and3A_260, %eq3A_261 : i32
        %convert_element_type3A_263 = arith.extui %eq3A_262 : i1 to i32
        %cond3A_264 = arith.constant 0 : i32
        %cond3A_265 = arith.cmpi ne, %convert_element_type3A_263, %cond3A_264 : i32
        scf.if %cond3A_265 {
          %add3A_266 = arith.addi %shift_right_arithmetic3A_36, %add3A_251 : i32
          %mul3A_267 = arith.constant 256 : i32
          %mul3A_268 = arith.muli %add3A_266, %mul3A_267 : i32
          %dma_start3A = arith.constant 256 : i32
          %dma_start3A_269 = arith.constant 0 : i32
          %dma_start3A_270 = tpu.memref_slice %arg7[%dma_start3A, %dma_start3A_269] : memref<512x128xf32, #tpu.memory_space<vmem>> -> memref<256x128xf32, #tpu.memory_space<vmem>>
          %dma_start3A_271 = tpu.memref_slice %arg2[%mul3A_268, %mul3A_4] : memref<32768x256xf32, #tpu.memory_space<hbm>> -> memref<256x128xf32, #tpu.memory_space<hbm>>
          %dma_start3A_272 = arith.constant 256 : i32
          %dma_start3A_273 = arith.constant 0 : i32
          %dma_start3A_274 = tpu.memref_slice %arg7[%dma_start3A_272, %dma_start3A_273] : memref<512x128xf32, #tpu.memory_space<vmem>> -> memref<256x128xf32, #tpu.memory_space<vmem>>
          %dma_start3A_275 = tpu.memref_slice %arg2[%mul3A_268, %mul3A_4] : memref<32768x256xf32, #tpu.memory_space<hbm>> -> memref<256x128xf32, #tpu.memory_space<hbm>>
          tpu.enqueue_dma source(%dma_start3A_275 : memref<256x128xf32, #tpu.memory_space<hbm>>) target(%dma_start3A_274 : memref<256x128xf32, #tpu.memory_space<vmem>>) target_semaphore(%arg12 : memref<!tpu.dma_semaphore, #tpu.memory_space<semaphore_mem>>)
        } else {
        }
      } else {
      }
      %and3A_225 = arith.constant 1 : i32
      %and3A_226 = arith.andi %while3A_203, %and3A_225 : i32
      %eq3A_227 = arith.constant 0 : i32
      %eq3A_228 = arith.cmpi eq, %and3A_226, %eq3A_227 : i32
      %convert_element_type3A_229 = arith.extui %eq3A_228 : i1 to i32
      %cond3A_230 = arith.constant 0 : i32
      %cond3A_231 = arith.cmpi ne, %convert_element_type3A_229, %cond3A_230 : i32
      scf.if %cond3A_231 {
        %add3A_250 = arith.addi %shift_right_arithmetic3A_36, %while3A_203 : i32
        %mul3A_251 = arith.constant 256 : i32
        %mul3A_252 = arith.muli %add3A_250, %mul3A_251 : i32
        %dma_wait3A = arith.constant 0 : i32
        %dma_wait3A_253 = arith.constant 0 : i32
        %dma_wait3A_254 = tpu.memref_slice %arg7[%dma_wait3A, %dma_wait3A_253] : memref<512x128xf32, #tpu.memory_space<vmem>> -> memref<256x128xf32, #tpu.memory_space<vmem>>
        %dma_wait3A_255 = tpu.memref_slice %arg2[%mul3A_252, %mul3A_4] : memref<32768x256xf32, #tpu.memory_space<hbm>> -> memref<256x128xf32, #tpu.memory_space<hbm>>
        %dma_wait3A_256 = arith.constant 0 : i32
        %dma_wait3A_257 = arith.constant 0 : i32
        %dma_wait3A_258 = tpu.memref_slice %arg7[%dma_wait3A_256, %dma_wait3A_257] : memref<512x128xf32, #tpu.memory_space<vmem>> -> memref<256x128xf32, #tpu.memory_space<vmem>>
        %dma_wait3A_259 = tpu.memref_slice %arg2[%mul3A_252, %mul3A_4] : memref<32768x256xf32, #tpu.memory_space<hbm>> -> memref<256x128xf32, #tpu.memory_space<hbm>>
        tpu.wait_dma2 semaphore(%arg11 : memref<!tpu.dma_semaphore, #tpu.memory_space<semaphore_mem>>) src(%dma_wait3A_259 : memref<256x128xf32, #tpu.memory_space<hbm>>) dst(%dma_wait3A_258 : memref<256x128xf32, #tpu.memory_space<vmem>>)
      } else {
      }
      %and3A_232 = arith.constant 1 : i32
      %and3A_233 = arith.andi %while3A_203, %and3A_232 : i32
      %eq3A_234 = arith.constant 1 : i32
      %eq3A_235 = arith.cmpi eq, %and3A_233, %eq3A_234 : i32
      %convert_element_type3A_236 = arith.extui %eq3A_235 : i1 to i32
      %cond3A_237 = arith.constant 0 : i32
      %cond3A_238 = arith.cmpi ne, %convert_element_type3A_236, %cond3A_237 : i32
      scf.if %cond3A_238 {
        %add3A_250 = arith.addi %shift_right_arithmetic3A_36, %while3A_203 : i32
        %mul3A_251 = arith.constant 256 : i32
        %mul3A_252 = arith.muli %add3A_250, %mul3A_251 : i32
        %dma_wait3A = arith.constant 256 : i32
        %dma_wait3A_253 = arith.constant 0 : i32
        %dma_wait3A_254 = tpu.memref_slice %arg7[%dma_wait3A, %dma_wait3A_253] : memref<512x128xf32, #tpu.memory_space<vmem>> -> memref<256x128xf32, #tpu.memory_space<vmem>>
        %dma_wait3A_255 = tpu.memref_slice %arg2[%mul3A_252, %mul3A_4] : memref<32768x256xf32, #tpu.memory_space<hbm>> -> memref<256x128xf32, #tpu.memory_space<hbm>>
        %dma_wait3A_256 = arith.constant 256 : i32
        %dma_wait3A_257 = arith.constant 0 : i32
        %dma_wait3A_258 = tpu.memref_slice %arg7[%dma_wait3A_256, %dma_wait3A_257] : memref<512x128xf32, #tpu.memory_space<vmem>> -> memref<256x128xf32, #tpu.memory_space<vmem>>
        %dma_wait3A_259 = tpu.memref_slice %arg2[%mul3A_252, %mul3A_4] : memref<32768x256xf32, #tpu.memory_space<hbm>> -> memref<256x128xf32, #tpu.memory_space<hbm>>
        tpu.wait_dma2 semaphore(%arg12 : memref<!tpu.dma_semaphore, #tpu.memory_space<semaphore_mem>>) src(%dma_wait3A_259 : memref<256x128xf32, #tpu.memory_space<hbm>>) dst(%dma_wait3A_258 : memref<256x128xf32, #tpu.memory_space<vmem>>)
      } else {
      }
      %add3A_239 = arith.addi %shift_right_arithmetic3A_36, %while3A_203 : i32
      %and3A_240 = arith.constant 1 : i32
      %and3A_241 = arith.andi %while3A_203, %and3A_240 : i32
      %mul3A_242 = arith.constant 256 : i32
      %mul3A_243 = arith.muli %and3A_241, %mul3A_242 : i32
      %scan3A_244 = arith.constant 0 : i32
      %scan3A_245 = arith.constant 256 : i32
      %scan3A_246 = arith.addi %scan3A_244, %scan3A_245 : i32
      %scan3A_247 = arith.constant 1 : i32
      %scan3A_248:16 = scf.for %scan3A_250 = %scan3A_244 to %scan3A_246 step %scan3A_247 iter_args(%scan3A_251 = %while3A_204, %scan3A_252 = %while3A_205, %scan3A_253 = %while3A_206, %scan3A_254 = %while3A_207, %scan3A_255 = %while3A_208, %scan3A_256 = %while3A_209, %scan3A_257 = %while3A_210, %scan3A_258 = %while3A_211, %scan3A_259 = %while3A_212, %scan3A_260 = %while3A_213, %scan3A_261 = %while3A_214, %scan3A_262 = %while3A_215, %scan3A_263 = %while3A_216, %scan3A_264 = %while3A_217, %scan3A_265 = %while3A_218, %scan3A_266 = %while3A_219) -> (vector<16xf32>, vector<16xf32>, vector<16xf32>, vector<16xf32>, vector<16xf32>, vector<16xf32>, vector<16xf32>, vector<16xf32>, vector<16xf32>, vector<16xf32>, vector<16xf32>, vector<16xf32>, vector<16xf32>, vector<16xf32>, vector<16xf32>, vector<16xf32>)  : i32 {
        %mul3A_267 = arith.constant 256 : i32
        %mul3A_268 = arith.muli %add3A_239, %mul3A_267 : i32
        %add3A_269 = arith.addi %mul3A_268, %scan3A_250 : i32
        %ge3A = arith.cmpi sge, %add3A_269, %scan3A_23#0 : i32
        %lt3A_270 = arith.cmpi slt, %add3A_269, %scan3A_33#0 : i32
        %and3A_271 = arith.andi %ge3A, %lt3A_270 : i1
        %jit3A = arith.constant 1.000000e+00 : f32
        %jit3A_272 = arith.constant 0.000000e+00 : f32
        %select_n3A = arith.select %and3A_271, %jit3A, %jit3A_272 : f32
        %add3A_273 = vector.broadcast %select_n3A : f32 to vector<16xf32>
        %add3A_274 = arith.addf %add3A_273, %broadcast_in_dim3A_5 : vector<16xf32>
        %jit3A_275 = arith.constant 0.000000e+00 : f32
        %jit3A_276 = arith.constant 0xFF800000 : f32
        %select_n3A_277 = arith.select %and3A_271, %jit3A_275, %jit3A_276 : f32
        %add3A_278 = vector.broadcast %select_n3A_277 : f32 to vector<16xf32>
        %add3A_279 = arith.addf %add3A_278, %broadcast_in_dim3A_5 : vector<16xf32>
        %add3A_280 = arith.addi %mul3A_243, %scan3A_250 : i32
        %get3A = arith.index_cast %add3A_280 : i32 to index
        %get3A_281 = arith.constant 0 : index
        %get3A_282 = tpu.vector_load %arg7[%get3A, %get3A_281] {strides = array<i32>} : memref<512x128xf32, #tpu.memory_space<vmem>>, vector<1x16xf32>,
        %get3A_283 = vector.shape_cast %get3A_282 : vector<1x16xf32> to vector<16xf32>
        %mul3A_284 = arith.mulf %get3A_283, %add3A_274 : vector<16xf32>
        %add3A_285 = arith.addf %scan3A_251, %mul3A_284 : vector<16xf32>
        %add3A_286 = arith.addf %get3A_283, %add3A_279 : vector<16xf32>
        %max3A_287 = arith.maximumf %scan3A_259, %add3A_286 : vector<16xf32>
        %add3A_288 = arith.addi %mul3A_243, %scan3A_250 : i32
        %get3A_289 = arith.index_cast %add3A_288 : i32 to index
        %get3A_290 = arith.constant 16 : index
        %get3A_291 = tpu.vector_load %arg7[%get3A_289, %get3A_290] {strides = array<i32>} : memref<512x128xf32, #tpu.memory_space<vmem>>, vector<1x16xf32>,
        %get3A_292 = vector.shape_cast %get3A_291 : vector<1x16xf32> to vector<16xf32>
        %mul3A_293 = arith.mulf %get3A_292, %add3A_274 : vector<16xf32>
        %add3A_294 = arith.addf %scan3A_252, %mul3A_293 : vector<16xf32>
        %add3A_295 = arith.addf %get3A_292, %add3A_279 : vector<16xf32>
        %max3A_296 = arith.maximumf %scan3A_260, %add3A_295 : vector<16xf32>
        %add3A_297 = arith.addi %mul3A_243, %scan3A_250 : i32
        %get3A_298 = arith.index_cast %add3A_297 : i32 to index
        %get3A_299 = arith.constant 32 : index
        %get3A_300 = tpu.vector_load %arg7[%get3A_298, %get3A_299] {strides = array<i32>} : memref<512x128xf32, #tpu.memory_space<vmem>>, vector<1x16xf32>,
        %get3A_301 = vector.shape_cast %get3A_300 : vector<1x16xf32> to vector<16xf32>
        %mul3A_302 = arith.mulf %get3A_301, %add3A_274 : vector<16xf32>
        %add3A_303 = arith.addf %scan3A_253, %mul3A_302 : vector<16xf32>
        %add3A_304 = arith.addf %get3A_301, %add3A_279 : vector<16xf32>
        %max3A_305 = arith.maximumf %scan3A_261, %add3A_304 : vector<16xf32>
        %add3A_306 = arith.addi %mul3A_243, %scan3A_250 : i32
        %get3A_307 = arith.index_cast %add3A_306 : i32 to index
        %get3A_308 = arith.constant 48 : index
        %get3A_309 = tpu.vector_load %arg7[%get3A_307, %get3A_308] {strides = array<i32>} : memref<512x128xf32, #tpu.memory_space<vmem>>, vector<1x16xf32>,
        %get3A_310 = vector.shape_cast %get3A_309 : vector<1x16xf32> to vector<16xf32>
        %mul3A_311 = arith.mulf %get3A_310, %add3A_274 : vector<16xf32>
        %add3A_312 = arith.addf %scan3A_254, %mul3A_311 : vector<16xf32>
        %add3A_313 = arith.addf %get3A_310, %add3A_279 : vector<16xf32>
        %max3A_314 = arith.maximumf %scan3A_262, %add3A_313 : vector<16xf32>
        %add3A_315 = arith.addi %mul3A_243, %scan3A_250 : i32
        %get3A_316 = arith.index_cast %add3A_315 : i32 to index
        %get3A_317 = arith.constant 64 : index
        %get3A_318 = tpu.vector_load %arg7[%get3A_316, %get3A_317] {strides = array<i32>} : memref<512x128xf32, #tpu.memory_space<vmem>>, vector<1x16xf32>,
        %get3A_319 = vector.shape_cast %get3A_318 : vector<1x16xf32> to vector<16xf32>
        %mul3A_320 = arith.mulf %get3A_319, %add3A_274 : vector<16xf32>
        %add3A_321 = arith.addf %scan3A_255, %mul3A_320 : vector<16xf32>
        %add3A_322 = arith.addf %get3A_319, %add3A_279 : vector<16xf32>
        %max3A_323 = arith.maximumf %scan3A_263, %add3A_322 : vector<16xf32>
        %add3A_324 = arith.addi %mul3A_243, %scan3A_250 : i32
        %get3A_325 = arith.index_cast %add3A_324 : i32 to index
        %get3A_326 = arith.constant 80 : index
        %get3A_327 = tpu.vector_load %arg7[%get3A_325, %get3A_326] {strides = array<i32>} : memref<512x128xf32, #tpu.memory_space<vmem>>, vector<1x16xf32>,
        %get3A_328 = vector.shape_cast %get3A_327 : vector<1x16xf32> to vector<16xf32>
        %mul3A_329 = arith.mulf %get3A_328, %add3A_274 : vector<16xf32>
        %add3A_330 = arith.addf %scan3A_256, %mul3A_329 : vector<16xf32>
        %add3A_331 = arith.addf %get3A_328, %add3A_279 : vector<16xf32>
        %max3A_332 = arith.maximumf %scan3A_264, %add3A_331 : vector<16xf32>
        %add3A_333 = arith.addi %mul3A_243, %scan3A_250 : i32
        %get3A_334 = arith.index_cast %add3A_333 : i32 to index
        %get3A_335 = arith.constant 96 : index
        %get3A_336 = tpu.vector_load %arg7[%get3A_334, %get3A_335] {strides = array<i32>} : memref<512x128xf32, #tpu.memory_space<vmem>>, vector<1x16xf32>,
        %get3A_337 = vector.shape_cast %get3A_336 : vector<1x16xf32> to vector<16xf32>
        %mul3A_338 = arith.mulf %get3A_337, %add3A_274 : vector<16xf32>
        %add3A_339 = arith.addf %scan3A_257, %mul3A_338 : vector<16xf32>
        %add3A_340 = arith.addf %get3A_337, %add3A_279 : vector<16xf32>
        %max3A_341 = arith.maximumf %scan3A_265, %add3A_340 : vector<16xf32>
        %add3A_342 = arith.addi %mul3A_243, %scan3A_250 : i32
        %get3A_343 = arith.index_cast %add3A_342 : i32 to index
        %get3A_344 = arith.constant 112 : index
        %get3A_345 = tpu.vector_load %arg7[%get3A_343, %get3A_344] {strides = array<i32>} : memref<512x128xf32, #tpu.memory_space<vmem>>, vector<1x16xf32>,
        %get3A_346 = vector.shape_cast %get3A_345 : vector<1x16xf32> to vector<16xf32>
        %mul3A_347 = arith.mulf %get3A_346, %add3A_274 : vector<16xf32>
        %add3A_348 = arith.addf %scan3A_258, %mul3A_347 : vector<16xf32>
        %add3A_349 = arith.addf %get3A_346, %add3A_279 : vector<16xf32>
        %max3A_350 = arith.maximumf %scan3A_266, %add3A_349 : vector<16xf32>
        scf.yield %add3A_285, %add3A_294, %add3A_303, %add3A_312, %add3A_321, %add3A_330, %add3A_339, %add3A_348, %max3A_287, %max3A_296, %max3A_305, %max3A_314, %max3A_323, %max3A_332, %max3A_341, %max3A_350 : vector<16xf32>, vector<16xf32>, vector<16xf32>, vector<16xf32>, vector<16xf32>, vector<16xf32>, vector<16xf32>, vector<16xf32>, vector<16xf32>, vector<16xf32>, vector<16xf32>, vector<16xf32>, vector<16xf32>, vector<16xf32>, vector<16xf32>, vector<16xf32>
      }
      %scan3A_249 = arith.constant 256 : i32
      scf.yield %scan3A_248#0, %scan3A_248#1, %scan3A_248#2, %scan3A_248#3, %scan3A_248#4, %scan3A_248#5, %scan3A_248#6, %scan3A_248#7, %scan3A_248#8, %scan3A_248#9, %scan3A_248#10, %scan3A_248#11, %scan3A_248#12, %scan3A_248#13, %scan3A_248#14, %scan3A_248#15 : vector<16xf32>, vector<16xf32>, vector<16xf32>, vector<16xf32>, vector<16xf32>, vector<16xf32>, vector<16xf32>, vector<16xf32>, vector<16xf32>, vector<16xf32>, vector<16xf32>, vector<16xf32>, vector<16xf32>, vector<16xf32>, vector<16xf32>, vector<16xf32>
    }
    %sub3A_56 = arith.constant 1 : i32
    %sub3A_57 = arith.subi %sub3A, %sub3A_56 : i32
    %while3A_58 = arith.constant 1 : i32
    %while3A_59 = arith.subi %sub3A_57, %while3A_58 : i32
    %while3A_60 = arith.addi %while3A_58, %while3A_59 : i32
    %while3A_61 = arith.constant 1 : i32
    %while3A_62 = arith.divsi %while3A_59, %while3A_61 : i32
    %while3A_63 = arith.muli %while3A_62, %while3A_61 : i32
    %while3A_64 = arith.addi %while3A_58, %while3A_63 : i32
    %while3A_65 = arith.constant 1 : i32
    %while3A_66:16 = scf.for %while3A_203 = %while3A_58 to %while3A_64 step %while3A_65 iter_args(%while3A_204 = %while3A_55#0, %while3A_205 = %while3A_55#1, %while3A_206 = %while3A_55#2, %while3A_207 = %while3A_55#3, %while3A_208 = %while3A_55#4, %while3A_209 = %while3A_55#5, %while3A_210 = %while3A_55#6, %while3A_211 = %while3A_55#7, %while3A_212 = %while3A_55#8, %while3A_213 = %while3A_55#9, %while3A_214 = %while3A_55#10, %while3A_215 = %while3A_55#11, %while3A_216 = %while3A_55#12, %while3A_217 = %while3A_55#13, %while3A_218 = %while3A_55#14, %while3A_219 = %while3A_55#15) -> (vector<16xf32>, vector<16xf32>, vector<16xf32>, vector<16xf32>, vector<16xf32>, vector<16xf32>, vector<16xf32>, vector<16xf32>, vector<16xf32>, vector<16xf32>, vector<16xf32>, vector<16xf32>, vector<16xf32>, vector<16xf32>, vector<16xf32>, vector<16xf32>)  : i32 {
      %add3A_220 = arith.constant 1 : i32
      %add3A_221 = arith.addi %while3A_203, %add3A_220 : i32
      %lt3A = arith.cmpi slt, %add3A_221, %sub3A : i32
      %convert_element_type3A_222 = arith.extui %lt3A : i1 to i32
      %cond3A_223 = arith.constant 0 : i32
      %cond3A_224 = arith.cmpi ne, %convert_element_type3A_222, %cond3A_223 : i32
      scf.if %cond3A_224 {
        %add3A_250 = arith.constant 1 : i32
        %add3A_251 = arith.addi %while3A_203, %add3A_250 : i32
        %and3A_252 = arith.constant 1 : i32
        %and3A_253 = arith.andi %add3A_251, %and3A_252 : i32
        %eq3A_254 = arith.constant 0 : i32
        %eq3A_255 = arith.cmpi eq, %and3A_253, %eq3A_254 : i32
        %convert_element_type3A_256 = arith.extui %eq3A_255 : i1 to i32
        %cond3A_257 = arith.constant 0 : i32
        %cond3A_258 = arith.cmpi ne, %convert_element_type3A_256, %cond3A_257 : i32
        scf.if %cond3A_258 {
          %add3A_266 = arith.addi %shift_right_arithmetic3A_36, %add3A_251 : i32
          %mul3A_267 = arith.constant 256 : i32
          %mul3A_268 = arith.muli %add3A_266, %mul3A_267 : i32
          %dma_start3A = arith.constant 0 : i32
          %dma_start3A_269 = arith.constant 0 : i32
          %dma_start3A_270 = tpu.memref_slice %arg7[%dma_start3A, %dma_start3A_269] : memref<512x128xf32, #tpu.memory_space<vmem>> -> memref<256x128xf32, #tpu.memory_space<vmem>>
          %dma_start3A_271 = tpu.memref_slice %arg2[%mul3A_268, %mul3A_4] : memref<32768x256xf32, #tpu.memory_space<hbm>> -> memref<256x128xf32, #tpu.memory_space<hbm>>
          %dma_start3A_272 = arith.constant 0 : i32
          %dma_start3A_273 = arith.constant 0 : i32
          %dma_start3A_274 = tpu.memref_slice %arg7[%dma_start3A_272, %dma_start3A_273] : memref<512x128xf32, #tpu.memory_space<vmem>> -> memref<256x128xf32, #tpu.memory_space<vmem>>
          %dma_start3A_275 = tpu.memref_slice %arg2[%mul3A_268, %mul3A_4] : memref<32768x256xf32, #tpu.memory_space<hbm>> -> memref<256x128xf32, #tpu.memory_space<hbm>>
          tpu.enqueue_dma source(%dma_start3A_275 : memref<256x128xf32, #tpu.memory_space<hbm>>) target(%dma_start3A_274 : memref<256x128xf32, #tpu.memory_space<vmem>>) target_semaphore(%arg11 : memref<!tpu.dma_semaphore, #tpu.memory_space<semaphore_mem>>)
        } else {
        }
        %and3A_259 = arith.constant 1 : i32
        %and3A_260 = arith.andi %add3A_251, %and3A_259 : i32
        %eq3A_261 = arith.constant 1 : i32
        %eq3A_262 = arith.cmpi eq, %and3A_260, %eq3A_261 : i32
        %convert_element_type3A_263 = arith.extui %eq3A_262 : i1 to i32
        %cond3A_264 = arith.constant 0 : i32
        %cond3A_265 = arith.cmpi ne, %convert_element_type3A_263, %cond3A_264 : i32
        scf.if %cond3A_265 {
          %add3A_266 = arith.addi %shift_right_arithmetic3A_36, %add3A_251 : i32
          %mul3A_267 = arith.constant 256 : i32
          %mul3A_268 = arith.muli %add3A_266, %mul3A_267 : i32
          %dma_start3A = arith.constant 256 : i32
          %dma_start3A_269 = arith.constant 0 : i32
          %dma_start3A_270 = tpu.memref_slice %arg7[%dma_start3A, %dma_start3A_269] : memref<512x128xf32, #tpu.memory_space<vmem>> -> memref<256x128xf32, #tpu.memory_space<vmem>>
          %dma_start3A_271 = tpu.memref_slice %arg2[%mul3A_268, %mul3A_4] : memref<32768x256xf32, #tpu.memory_space<hbm>> -> memref<256x128xf32, #tpu.memory_space<hbm>>
          %dma_start3A_272 = arith.constant 256 : i32
          %dma_start3A_273 = arith.constant 0 : i32
          %dma_start3A_274 = tpu.memref_slice %arg7[%dma_start3A_272, %dma_start3A_273] : memref<512x128xf32, #tpu.memory_space<vmem>> -> memref<256x128xf32, #tpu.memory_space<vmem>>
          %dma_start3A_275 = tpu.memref_slice %arg2[%mul3A_268, %mul3A_4] : memref<32768x256xf32, #tpu.memory_space<hbm>> -> memref<256x128xf32, #tpu.memory_space<hbm>>
          tpu.enqueue_dma source(%dma_start3A_275 : memref<256x128xf32, #tpu.memory_space<hbm>>) target(%dma_start3A_274 : memref<256x128xf32, #tpu.memory_space<vmem>>) target_semaphore(%arg12 : memref<!tpu.dma_semaphore, #tpu.memory_space<semaphore_mem>>)
        } else {
        }
      } else {
      }
      %and3A_225 = arith.constant 1 : i32
      %and3A_226 = arith.andi %while3A_203, %and3A_225 : i32
      %eq3A_227 = arith.constant 0 : i32
      %eq3A_228 = arith.cmpi eq, %and3A_226, %eq3A_227 : i32
      %convert_element_type3A_229 = arith.extui %eq3A_228 : i1 to i32
      %cond3A_230 = arith.constant 0 : i32
      %cond3A_231 = arith.cmpi ne, %convert_element_type3A_229, %cond3A_230 : i32
      scf.if %cond3A_231 {
        %add3A_250 = arith.addi %shift_right_arithmetic3A_36, %while3A_203 : i32
        %mul3A_251 = arith.constant 256 : i32
        %mul3A_252 = arith.muli %add3A_250, %mul3A_251 : i32
        %dma_wait3A = arith.constant 0 : i32
        %dma_wait3A_253 = arith.constant 0 : i32
        %dma_wait3A_254 = tpu.memref_slice %arg7[%dma_wait3A, %dma_wait3A_253] : memref<512x128xf32, #tpu.memory_space<vmem>> -> memref<256x128xf32, #tpu.memory_space<vmem>>
        %dma_wait3A_255 = tpu.memref_slice %arg2[%mul3A_252, %mul3A_4] : memref<32768x256xf32, #tpu.memory_space<hbm>> -> memref<256x128xf32, #tpu.memory_space<hbm>>
        %dma_wait3A_256 = arith.constant 0 : i32
        %dma_wait3A_257 = arith.constant 0 : i32
        %dma_wait3A_258 = tpu.memref_slice %arg7[%dma_wait3A_256, %dma_wait3A_257] : memref<512x128xf32, #tpu.memory_space<vmem>> -> memref<256x128xf32, #tpu.memory_space<vmem>>
        %dma_wait3A_259 = tpu.memref_slice %arg2[%mul3A_252, %mul3A_4] : memref<32768x256xf32, #tpu.memory_space<hbm>> -> memref<256x128xf32, #tpu.memory_space<hbm>>
        tpu.wait_dma2 semaphore(%arg11 : memref<!tpu.dma_semaphore, #tpu.memory_space<semaphore_mem>>) src(%dma_wait3A_259 : memref<256x128xf32, #tpu.memory_space<hbm>>) dst(%dma_wait3A_258 : memref<256x128xf32, #tpu.memory_space<vmem>>)
      } else {
      }
      %and3A_232 = arith.constant 1 : i32
      %and3A_233 = arith.andi %while3A_203, %and3A_232 : i32
      %eq3A_234 = arith.constant 1 : i32
      %eq3A_235 = arith.cmpi eq, %and3A_233, %eq3A_234 : i32
      %convert_element_type3A_236 = arith.extui %eq3A_235 : i1 to i32
      %cond3A_237 = arith.constant 0 : i32
      %cond3A_238 = arith.cmpi ne, %convert_element_type3A_236, %cond3A_237 : i32
      scf.if %cond3A_238 {
        %add3A_250 = arith.addi %shift_right_arithmetic3A_36, %while3A_203 : i32
        %mul3A_251 = arith.constant 256 : i32
        %mul3A_252 = arith.muli %add3A_250, %mul3A_251 : i32
        %dma_wait3A = arith.constant 256 : i32
        %dma_wait3A_253 = arith.constant 0 : i32
        %dma_wait3A_254 = tpu.memref_slice %arg7[%dma_wait3A, %dma_wait3A_253] : memref<512x128xf32, #tpu.memory_space<vmem>> -> memref<256x128xf32, #tpu.memory_space<vmem>>
        %dma_wait3A_255 = tpu.memref_slice %arg2[%mul3A_252, %mul3A_4] : memref<32768x256xf32, #tpu.memory_space<hbm>> -> memref<256x128xf32, #tpu.memory_space<hbm>>
        %dma_wait3A_256 = arith.constant 256 : i32
        %dma_wait3A_257 = arith.constant 0 : i32
        %dma_wait3A_258 = tpu.memref_slice %arg7[%dma_wait3A_256, %dma_wait3A_257] : memref<512x128xf32, #tpu.memory_space<vmem>> -> memref<256x128xf32, #tpu.memory_space<vmem>>
        %dma_wait3A_259 = tpu.memref_slice %arg2[%mul3A_252, %mul3A_4] : memref<32768x256xf32, #tpu.memory_space<hbm>> -> memref<256x128xf32, #tpu.memory_space<hbm>>
        tpu.wait_dma2 semaphore(%arg12 : memref<!tpu.dma_semaphore, #tpu.memory_space<semaphore_mem>>) src(%dma_wait3A_259 : memref<256x128xf32, #tpu.memory_space<hbm>>) dst(%dma_wait3A_258 : memref<256x128xf32, #tpu.memory_space<vmem>>)
      } else {
      }
      %add3A_239 = arith.addi %shift_right_arithmetic3A_36, %while3A_203 : i32
      %and3A_240 = arith.constant 1 : i32
      %and3A_241 = arith.andi %while3A_203, %and3A_240 : i32
      %mul3A_242 = arith.constant 256 : i32
      %mul3A_243 = arith.muli %and3A_241, %mul3A_242 : i32
      %scan3A_244 = arith.constant 0 : i32
      %scan3A_245 = arith.constant 256 : i32
      %scan3A_246 = arith.addi %scan3A_244, %scan3A_245 : i32
      %scan3A_247 = arith.constant 1 : i32
      %scan3A_248:16 = scf.for %scan3A_250 = %scan3A_244 to %scan3A_246 step %scan3A_247 iter_args(%scan3A_251 = %while3A_204, %scan3A_252 = %while3A_205, %scan3A_253 = %while3A_206, %scan3A_254 = %while3A_207, %scan3A_255 = %while3A_208, %scan3A_256 = %while3A_209, %scan3A_257 = %while3A_210, %scan3A_258 = %while3A_211, %scan3A_259 = %while3A_212, %scan3A_260 = %while3A_213, %scan3A_261 = %while3A_214, %scan3A_262 = %while3A_215, %scan3A_263 = %while3A_216, %scan3A_264 = %while3A_217, %scan3A_265 = %while3A_218, %scan3A_266 = %while3A_219) -> (vector<16xf32>, vector<16xf32>, vector<16xf32>, vector<16xf32>, vector<16xf32>, vector<16xf32>, vector<16xf32>, vector<16xf32>, vector<16xf32>, vector<16xf32>, vector<16xf32>, vector<16xf32>, vector<16xf32>, vector<16xf32>, vector<16xf32>, vector<16xf32>)  : i32 {
        %add3A_267 = arith.addi %mul3A_243, %scan3A_250 : i32
        %get3A = arith.index_cast %add3A_267 : i32 to index
        %get3A_268 = arith.constant 0 : index
        %get3A_269 = tpu.vector_load %arg7[%get3A, %get3A_268] {strides = array<i32>} : memref<512x128xf32, #tpu.memory_space<vmem>>, vector<1x16xf32>,
        %get3A_270 = vector.shape_cast %get3A_269 : vector<1x16xf32> to vector<16xf32>
        %add3A_271 = arith.addf %scan3A_251, %get3A_270 : vector<16xf32>
        %max3A_272 = arith.maximumf %scan3A_259, %get3A_270 : vector<16xf32>
        %add3A_273 = arith.addi %mul3A_243, %scan3A_250 : i32
        %get3A_274 = arith.index_cast %add3A_273 : i32 to index
        %get3A_275 = arith.constant 16 : index
        %get3A_276 = tpu.vector_load %arg7[%get3A_274, %get3A_275] {strides = array<i32>} : memref<512x128xf32, #tpu.memory_space<vmem>>, vector<1x16xf32>,
        %get3A_277 = vector.shape_cast %get3A_276 : vector<1x16xf32> to vector<16xf32>
        %add3A_278 = arith.addf %scan3A_252, %get3A_277 : vector<16xf32>
        %max3A_279 = arith.maximumf %scan3A_260, %get3A_277 : vector<16xf32>
        %add3A_280 = arith.addi %mul3A_243, %scan3A_250 : i32
        %get3A_281 = arith.index_cast %add3A_280 : i32 to index
        %get3A_282 = arith.constant 32 : index
        %get3A_283 = tpu.vector_load %arg7[%get3A_281, %get3A_282] {strides = array<i32>} : memref<512x128xf32, #tpu.memory_space<vmem>>, vector<1x16xf32>,
        %get3A_284 = vector.shape_cast %get3A_283 : vector<1x16xf32> to vector<16xf32>
        %add3A_285 = arith.addf %scan3A_253, %get3A_284 : vector<16xf32>
        %max3A_286 = arith.maximumf %scan3A_261, %get3A_284 : vector<16xf32>
        %add3A_287 = arith.addi %mul3A_243, %scan3A_250 : i32
        %get3A_288 = arith.index_cast %add3A_287 : i32 to index
        %get3A_289 = arith.constant 48 : index
        %get3A_290 = tpu.vector_load %arg7[%get3A_288, %get3A_289] {strides = array<i32>} : memref<512x128xf32, #tpu.memory_space<vmem>>, vector<1x16xf32>,
        %get3A_291 = vector.shape_cast %get3A_290 : vector<1x16xf32> to vector<16xf32>
        %add3A_292 = arith.addf %scan3A_254, %get3A_291 : vector<16xf32>
        %max3A_293 = arith.maximumf %scan3A_262, %get3A_291 : vector<16xf32>
        %add3A_294 = arith.addi %mul3A_243, %scan3A_250 : i32
        %get3A_295 = arith.index_cast %add3A_294 : i32 to index
        %get3A_296 = arith.constant 64 : index
        %get3A_297 = tpu.vector_load %arg7[%get3A_295, %get3A_296] {strides = array<i32>} : memref<512x128xf32, #tpu.memory_space<vmem>>, vector<1x16xf32>,
        %get3A_298 = vector.shape_cast %get3A_297 : vector<1x16xf32> to vector<16xf32>
        %add3A_299 = arith.addf %scan3A_255, %get3A_298 : vector<16xf32>
        %max3A_300 = arith.maximumf %scan3A_263, %get3A_298 : vector<16xf32>
        %add3A_301 = arith.addi %mul3A_243, %scan3A_250 : i32
        %get3A_302 = arith.index_cast %add3A_301 : i32 to index
        %get3A_303 = arith.constant 80 : index
        %get3A_304 = tpu.vector_load %arg7[%get3A_302, %get3A_303] {strides = array<i32>} : memref<512x128xf32, #tpu.memory_space<vmem>>, vector<1x16xf32>,
        %get3A_305 = vector.shape_cast %get3A_304 : vector<1x16xf32> to vector<16xf32>
        %add3A_306 = arith.addf %scan3A_256, %get3A_305 : vector<16xf32>
        %max3A_307 = arith.maximumf %scan3A_264, %get3A_305 : vector<16xf32>
        %add3A_308 = arith.addi %mul3A_243, %scan3A_250 : i32
        %get3A_309 = arith.index_cast %add3A_308 : i32 to index
        %get3A_310 = arith.constant 96 : index
        %get3A_311 = tpu.vector_load %arg7[%get3A_309, %get3A_310] {strides = array<i32>} : memref<512x128xf32, #tpu.memory_space<vmem>>, vector<1x16xf32>,
        %get3A_312 = vector.shape_cast %get3A_311 : vector<1x16xf32> to vector<16xf32>
        %add3A_313 = arith.addf %scan3A_257, %get3A_312 : vector<16xf32>
        %max3A_314 = arith.maximumf %scan3A_265, %get3A_312 : vector<16xf32>
        %add3A_315 = arith.addi %mul3A_243, %scan3A_250 : i32
        %get3A_316 = arith.index_cast %add3A_315 : i32 to index
        %get3A_317 = arith.constant 112 : index
        %get3A_318 = tpu.vector_load %arg7[%get3A_316, %get3A_317] {strides = array<i32>} : memref<512x128xf32, #tpu.memory_space<vmem>>, vector<1x16xf32>,
        %get3A_319 = vector.shape_cast %get3A_318 : vector<1x16xf32> to vector<16xf32>
        %add3A_320 = arith.addf %scan3A_258, %get3A_319 : vector<16xf32>
        %max3A_321 = arith.maximumf %scan3A_266, %get3A_319 : vector<16xf32>
        scf.yield %add3A_271, %add3A_278, %add3A_285, %add3A_292, %add3A_299, %add3A_306, %add3A_313, %add3A_320, %max3A_272, %max3A_279, %max3A_286, %max3A_293, %max3A_300, %max3A_307, %max3A_314, %max3A_321 : vector<16xf32>, vector<16xf32>, vector<16xf32>, vector<16xf32>, vector<16xf32>, vector<16xf32>, vector<16xf32>, vector<16xf32>, vector<16xf32>, vector<16xf32>, vector<16xf32>, vector<16xf32>, vector<16xf32>, vector<16xf32>, vector<16xf32>, vector<16xf32>
      }
      %scan3A_249 = arith.constant 256 : i32
      scf.yield %scan3A_248#0, %scan3A_248#1, %scan3A_248#2, %scan3A_248#3, %scan3A_248#4, %scan3A_248#5, %scan3A_248#6, %scan3A_248#7, %scan3A_248#8, %scan3A_248#9, %scan3A_248#10, %scan3A_248#11, %scan3A_248#12, %scan3A_248#13, %scan3A_248#14, %scan3A_248#15 : vector<16xf32>, vector<16xf32>, vector<16xf32>, vector<16xf32>, vector<16xf32>, vector<16xf32>, vector<16xf32>, vector<16xf32>, vector<16xf32>, vector<16xf32>, vector<16xf32>, vector<16xf32>, vector<16xf32>, vector<16xf32>, vector<16xf32>, vector<16xf32>
    }
    %while3A_67 = arith.constant 1 : i32
    %while3A_68:16 = scf.for %while3A_203 = %while3A_64 to %while3A_60 step %while3A_67 iter_args(%while3A_204 = %while3A_66#0, %while3A_205 = %while3A_66#1, %while3A_206 = %while3A_66#2, %while3A_207 = %while3A_66#3, %while3A_208 = %while3A_66#4, %while3A_209 = %while3A_66#5, %while3A_210 = %while3A_66#6, %while3A_211 = %while3A_66#7, %while3A_212 = %while3A_66#8, %while3A_213 = %while3A_66#9, %while3A_214 = %while3A_66#10, %while3A_215 = %while3A_66#11, %while3A_216 = %while3A_66#12, %while3A_217 = %while3A_66#13, %while3A_218 = %while3A_66#14, %while3A_219 = %while3A_66#15) -> (vector<16xf32>, vector<16xf32>, vector<16xf32>, vector<16xf32>, vector<16xf32>, vector<16xf32>, vector<16xf32>, vector<16xf32>, vector<16xf32>, vector<16xf32>, vector<16xf32>, vector<16xf32>, vector<16xf32>, vector<16xf32>, vector<16xf32>, vector<16xf32>)  : i32 {
      %add3A_220 = arith.constant 1 : i32
      %add3A_221 = arith.addi %while3A_203, %add3A_220 : i32
      %lt3A = arith.cmpi slt, %add3A_221, %sub3A : i32
      %convert_element_type3A_222 = arith.extui %lt3A : i1 to i32
      %cond3A_223 = arith.constant 0 : i32
      %cond3A_224 = arith.cmpi ne, %convert_element_type3A_222, %cond3A_223 : i32
      scf.if %cond3A_224 {
        %add3A_250 = arith.constant 1 : i32
        %add3A_251 = arith.addi %while3A_203, %add3A_250 : i32
        %and3A_252 = arith.constant 1 : i32
        %and3A_253 = arith.andi %add3A_251, %and3A_252 : i32
        %eq3A_254 = arith.constant 0 : i32
        %eq3A_255 = arith.cmpi eq, %and3A_253, %eq3A_254 : i32
        %convert_element_type3A_256 = arith.extui %eq3A_255 : i1 to i32
        %cond3A_257 = arith.constant 0 : i32
        %cond3A_258 = arith.cmpi ne, %convert_element_type3A_256, %cond3A_257 : i32
        scf.if %cond3A_258 {
          %add3A_266 = arith.addi %shift_right_arithmetic3A_36, %add3A_251 : i32
          %mul3A_267 = arith.constant 256 : i32
          %mul3A_268 = arith.muli %add3A_266, %mul3A_267 : i32
          %dma_start3A = arith.constant 0 : i32
          %dma_start3A_269 = arith.constant 0 : i32
          %dma_start3A_270 = tpu.memref_slice %arg7[%dma_start3A, %dma_start3A_269] : memref<512x128xf32, #tpu.memory_space<vmem>> -> memref<256x128xf32, #tpu.memory_space<vmem>>
          %dma_start3A_271 = tpu.memref_slice %arg2[%mul3A_268, %mul3A_4] : memref<32768x256xf32, #tpu.memory_space<hbm>> -> memref<256x128xf32, #tpu.memory_space<hbm>>
          %dma_start3A_272 = arith.constant 0 : i32
          %dma_start3A_273 = arith.constant 0 : i32
          %dma_start3A_274 = tpu.memref_slice %arg7[%dma_start3A_272, %dma_start3A_273] : memref<512x128xf32, #tpu.memory_space<vmem>> -> memref<256x128xf32, #tpu.memory_space<vmem>>
          %dma_start3A_275 = tpu.memref_slice %arg2[%mul3A_268, %mul3A_4] : memref<32768x256xf32, #tpu.memory_space<hbm>> -> memref<256x128xf32, #tpu.memory_space<hbm>>
          tpu.enqueue_dma source(%dma_start3A_275 : memref<256x128xf32, #tpu.memory_space<hbm>>) target(%dma_start3A_274 : memref<256x128xf32, #tpu.memory_space<vmem>>) target_semaphore(%arg11 : memref<!tpu.dma_semaphore, #tpu.memory_space<semaphore_mem>>)
        } else {
        }
        %and3A_259 = arith.constant 1 : i32
        %and3A_260 = arith.andi %add3A_251, %and3A_259 : i32
        %eq3A_261 = arith.constant 1 : i32
        %eq3A_262 = arith.cmpi eq, %and3A_260, %eq3A_261 : i32
        %convert_element_type3A_263 = arith.extui %eq3A_262 : i1 to i32
        %cond3A_264 = arith.constant 0 : i32
        %cond3A_265 = arith.cmpi ne, %convert_element_type3A_263, %cond3A_264 : i32
        scf.if %cond3A_265 {
          %add3A_266 = arith.addi %shift_right_arithmetic3A_36, %add3A_251 : i32
          %mul3A_267 = arith.constant 256 : i32
          %mul3A_268 = arith.muli %add3A_266, %mul3A_267 : i32
          %dma_start3A = arith.constant 256 : i32
          %dma_start3A_269 = arith.constant 0 : i32
          %dma_start3A_270 = tpu.memref_slice %arg7[%dma_start3A, %dma_start3A_269] : memref<512x128xf32, #tpu.memory_space<vmem>> -> memref<256x128xf32, #tpu.memory_space<vmem>>
          %dma_start3A_271 = tpu.memref_slice %arg2[%mul3A_268, %mul3A_4] : memref<32768x256xf32, #tpu.memory_space<hbm>> -> memref<256x128xf32, #tpu.memory_space<hbm>>
          %dma_start3A_272 = arith.constant 256 : i32
          %dma_start3A_273 = arith.constant 0 : i32
          %dma_start3A_274 = tpu.memref_slice %arg7[%dma_start3A_272, %dma_start3A_273] : memref<512x128xf32, #tpu.memory_space<vmem>> -> memref<256x128xf32, #tpu.memory_space<vmem>>
          %dma_start3A_275 = tpu.memref_slice %arg2[%mul3A_268, %mul3A_4] : memref<32768x256xf32, #tpu.memory_space<hbm>> -> memref<256x128xf32, #tpu.memory_space<hbm>>
          tpu.enqueue_dma source(%dma_start3A_275 : memref<256x128xf32, #tpu.memory_space<hbm>>) target(%dma_start3A_274 : memref<256x128xf32, #tpu.memory_space<vmem>>) target_semaphore(%arg12 : memref<!tpu.dma_semaphore, #tpu.memory_space<semaphore_mem>>)
        } else {
        }
      } else {
      }
      %and3A_225 = arith.constant 1 : i32
      %and3A_226 = arith.andi %while3A_203, %and3A_225 : i32
      %eq3A_227 = arith.constant 0 : i32
      %eq3A_228 = arith.cmpi eq, %and3A_226, %eq3A_227 : i32
      %convert_element_type3A_229 = arith.extui %eq3A_228 : i1 to i32
      %cond3A_230 = arith.constant 0 : i32
      %cond3A_231 = arith.cmpi ne, %convert_element_type3A_229, %cond3A_230 : i32
      scf.if %cond3A_231 {
        %add3A_250 = arith.addi %shift_right_arithmetic3A_36, %while3A_203 : i32
        %mul3A_251 = arith.constant 256 : i32
        %mul3A_252 = arith.muli %add3A_250, %mul3A_251 : i32
        %dma_wait3A = arith.constant 0 : i32
        %dma_wait3A_253 = arith.constant 0 : i32
        %dma_wait3A_254 = tpu.memref_slice %arg7[%dma_wait3A, %dma_wait3A_253] : memref<512x128xf32, #tpu.memory_space<vmem>> -> memref<256x128xf32, #tpu.memory_space<vmem>>
        %dma_wait3A_255 = tpu.memref_slice %arg2[%mul3A_252, %mul3A_4] : memref<32768x256xf32, #tpu.memory_space<hbm>> -> memref<256x128xf32, #tpu.memory_space<hbm>>
        %dma_wait3A_256 = arith.constant 0 : i32
        %dma_wait3A_257 = arith.constant 0 : i32
        %dma_wait3A_258 = tpu.memref_slice %arg7[%dma_wait3A_256, %dma_wait3A_257] : memref<512x128xf32, #tpu.memory_space<vmem>> -> memref<256x128xf32, #tpu.memory_space<vmem>>
        %dma_wait3A_259 = tpu.memref_slice %arg2[%mul3A_252, %mul3A_4] : memref<32768x256xf32, #tpu.memory_space<hbm>> -> memref<256x128xf32, #tpu.memory_space<hbm>>
        tpu.wait_dma2 semaphore(%arg11 : memref<!tpu.dma_semaphore, #tpu.memory_space<semaphore_mem>>) src(%dma_wait3A_259 : memref<256x128xf32, #tpu.memory_space<hbm>>) dst(%dma_wait3A_258 : memref<256x128xf32, #tpu.memory_space<vmem>>)
      } else {
      }
      %and3A_232 = arith.constant 1 : i32
      %and3A_233 = arith.andi %while3A_203, %and3A_232 : i32
      %eq3A_234 = arith.constant 1 : i32
      %eq3A_235 = arith.cmpi eq, %and3A_233, %eq3A_234 : i32
      %convert_element_type3A_236 = arith.extui %eq3A_235 : i1 to i32
      %cond3A_237 = arith.constant 0 : i32
      %cond3A_238 = arith.cmpi ne, %convert_element_type3A_236, %cond3A_237 : i32
      scf.if %cond3A_238 {
        %add3A_250 = arith.addi %shift_right_arithmetic3A_36, %while3A_203 : i32
        %mul3A_251 = arith.constant 256 : i32
        %mul3A_252 = arith.muli %add3A_250, %mul3A_251 : i32
        %dma_wait3A = arith.constant 256 : i32
        %dma_wait3A_253 = arith.constant 0 : i32
        %dma_wait3A_254 = tpu.memref_slice %arg7[%dma_wait3A, %dma_wait3A_253] : memref<512x128xf32, #tpu.memory_space<vmem>> -> memref<256x128xf32, #tpu.memory_space<vmem>>
        %dma_wait3A_255 = tpu.memref_slice %arg2[%mul3A_252, %mul3A_4] : memref<32768x256xf32, #tpu.memory_space<hbm>> -> memref<256x128xf32, #tpu.memory_space<hbm>>
        %dma_wait3A_256 = arith.constant 256 : i32
        %dma_wait3A_257 = arith.constant 0 : i32
        %dma_wait3A_258 = tpu.memref_slice %arg7[%dma_wait3A_256, %dma_wait3A_257] : memref<512x128xf32, #tpu.memory_space<vmem>> -> memref<256x128xf32, #tpu.memory_space<vmem>>
        %dma_wait3A_259 = tpu.memref_slice %arg2[%mul3A_252, %mul3A_4] : memref<32768x256xf32, #tpu.memory_space<hbm>> -> memref<256x128xf32, #tpu.memory_space<hbm>>
        tpu.wait_dma2 semaphore(%arg12 : memref<!tpu.dma_semaphore, #tpu.memory_space<semaphore_mem>>) src(%dma_wait3A_259 : memref<256x128xf32, #tpu.memory_space<hbm>>) dst(%dma_wait3A_258 : memref<256x128xf32, #tpu.memory_space<vmem>>)
      } else {
      }
      %add3A_239 = arith.addi %shift_right_arithmetic3A_36, %while3A_203 : i32
      %and3A_240 = arith.constant 1 : i32
      %and3A_241 = arith.andi %while3A_203, %and3A_240 : i32
      %mul3A_242 = arith.constant 256 : i32
      %mul3A_243 = arith.muli %and3A_241, %mul3A_242 : i32
      %scan3A_244 = arith.constant 0 : i32
      %scan3A_245 = arith.constant 256 : i32
      %scan3A_246 = arith.addi %scan3A_244, %scan3A_245 : i32
      %scan3A_247 = arith.constant 1 : i32
      %scan3A_248:16 = scf.for %scan3A_250 = %scan3A_244 to %scan3A_246 step %scan3A_247 iter_args(%scan3A_251 = %while3A_204, %scan3A_252 = %while3A_205, %scan3A_253 = %while3A_206, %scan3A_254 = %while3A_207, %scan3A_255 = %while3A_208, %scan3A_256 = %while3A_209, %scan3A_257 = %while3A_210, %scan3A_258 = %while3A_211, %scan3A_259 = %while3A_212, %scan3A_260 = %while3A_213, %scan3A_261 = %while3A_214, %scan3A_262 = %while3A_215, %scan3A_263 = %while3A_216, %scan3A_264 = %while3A_217, %scan3A_265 = %while3A_218, %scan3A_266 = %while3A_219) -> (vector<16xf32>, vector<16xf32>, vector<16xf32>, vector<16xf32>, vector<16xf32>, vector<16xf32>, vector<16xf32>, vector<16xf32>, vector<16xf32>, vector<16xf32>, vector<16xf32>, vector<16xf32>, vector<16xf32>, vector<16xf32>, vector<16xf32>, vector<16xf32>)  : i32 {
        %add3A_267 = arith.addi %mul3A_243, %scan3A_250 : i32
        %get3A = arith.index_cast %add3A_267 : i32 to index
        %get3A_268 = arith.constant 0 : index
        %get3A_269 = tpu.vector_load %arg7[%get3A, %get3A_268] {strides = array<i32>} : memref<512x128xf32, #tpu.memory_space<vmem>>, vector<1x16xf32>,
        %get3A_270 = vector.shape_cast %get3A_269 : vector<1x16xf32> to vector<16xf32>
        %add3A_271 = arith.addf %scan3A_251, %get3A_270 : vector<16xf32>
        %max3A_272 = arith.maximumf %scan3A_259, %get3A_270 : vector<16xf32>
        %add3A_273 = arith.addi %mul3A_243, %scan3A_250 : i32
        %get3A_274 = arith.index_cast %add3A_273 : i32 to index
        %get3A_275 = arith.constant 16 : index
        %get3A_276 = tpu.vector_load %arg7[%get3A_274, %get3A_275] {strides = array<i32>} : memref<512x128xf32, #tpu.memory_space<vmem>>, vector<1x16xf32>,
        %get3A_277 = vector.shape_cast %get3A_276 : vector<1x16xf32> to vector<16xf32>
        %add3A_278 = arith.addf %scan3A_252, %get3A_277 : vector<16xf32>
        %max3A_279 = arith.maximumf %scan3A_260, %get3A_277 : vector<16xf32>
        %add3A_280 = arith.addi %mul3A_243, %scan3A_250 : i32
        %get3A_281 = arith.index_cast %add3A_280 : i32 to index
        %get3A_282 = arith.constant 32 : index
        %get3A_283 = tpu.vector_load %arg7[%get3A_281, %get3A_282] {strides = array<i32>} : memref<512x128xf32, #tpu.memory_space<vmem>>, vector<1x16xf32>,
        %get3A_284 = vector.shape_cast %get3A_283 : vector<1x16xf32> to vector<16xf32>
        %add3A_285 = arith.addf %scan3A_253, %get3A_284 : vector<16xf32>
        %max3A_286 = arith.maximumf %scan3A_261, %get3A_284 : vector<16xf32>
        %add3A_287 = arith.addi %mul3A_243, %scan3A_250 : i32
        %get3A_288 = arith.index_cast %add3A_287 : i32 to index
        %get3A_289 = arith.constant 48 : index
        %get3A_290 = tpu.vector_load %arg7[%get3A_288, %get3A_289] {strides = array<i32>} : memref<512x128xf32, #tpu.memory_space<vmem>>, vector<1x16xf32>,
        %get3A_291 = vector.shape_cast %get3A_290 : vector<1x16xf32> to vector<16xf32>
        %add3A_292 = arith.addf %scan3A_254, %get3A_291 : vector<16xf32>
        %max3A_293 = arith.maximumf %scan3A_262, %get3A_291 : vector<16xf32>
        %add3A_294 = arith.addi %mul3A_243, %scan3A_250 : i32
        %get3A_295 = arith.index_cast %add3A_294 : i32 to index
        %get3A_296 = arith.constant 64 : index
        %get3A_297 = tpu.vector_load %arg7[%get3A_295, %get3A_296] {strides = array<i32>} : memref<512x128xf32, #tpu.memory_space<vmem>>, vector<1x16xf32>,
        %get3A_298 = vector.shape_cast %get3A_297 : vector<1x16xf32> to vector<16xf32>
        %add3A_299 = arith.addf %scan3A_255, %get3A_298 : vector<16xf32>
        %max3A_300 = arith.maximumf %scan3A_263, %get3A_298 : vector<16xf32>
        %add3A_301 = arith.addi %mul3A_243, %scan3A_250 : i32
        %get3A_302 = arith.index_cast %add3A_301 : i32 to index
        %get3A_303 = arith.constant 80 : index
        %get3A_304 = tpu.vector_load %arg7[%get3A_302, %get3A_303] {strides = array<i32>} : memref<512x128xf32, #tpu.memory_space<vmem>>, vector<1x16xf32>,
        %get3A_305 = vector.shape_cast %get3A_304 : vector<1x16xf32> to vector<16xf32>
        %add3A_306 = arith.addf %scan3A_256, %get3A_305 : vector<16xf32>
        %max3A_307 = arith.maximumf %scan3A_264, %get3A_305 : vector<16xf32>
        %add3A_308 = arith.addi %mul3A_243, %scan3A_250 : i32
        %get3A_309 = arith.index_cast %add3A_308 : i32 to index
        %get3A_310 = arith.constant 96 : index
        %get3A_311 = tpu.vector_load %arg7[%get3A_309, %get3A_310] {strides = array<i32>} : memref<512x128xf32, #tpu.memory_space<vmem>>, vector<1x16xf32>,
        %get3A_312 = vector.shape_cast %get3A_311 : vector<1x16xf32> to vector<16xf32>
        %add3A_313 = arith.addf %scan3A_257, %get3A_312 : vector<16xf32>
        %max3A_314 = arith.maximumf %scan3A_265, %get3A_312 : vector<16xf32>
        %add3A_315 = arith.addi %mul3A_243, %scan3A_250 : i32
        %get3A_316 = arith.index_cast %add3A_315 : i32 to index
        %get3A_317 = arith.constant 112 : index
        %get3A_318 = tpu.vector_load %arg7[%get3A_316, %get3A_317] {strides = array<i32>} : memref<512x128xf32, #tpu.memory_space<vmem>>, vector<1x16xf32>,
        %get3A_319 = vector.shape_cast %get3A_318 : vector<1x16xf32> to vector<16xf32>
        %add3A_320 = arith.addf %scan3A_258, %get3A_319 : vector<16xf32>
        %max3A_321 = arith.maximumf %scan3A_266, %get3A_319 : vector<16xf32>
        scf.yield %add3A_271, %add3A_278, %add3A_285, %add3A_292, %add3A_299, %add3A_306, %add3A_313, %add3A_320, %max3A_272, %max3A_279, %max3A_286, %max3A_293, %max3A_300, %max3A_307, %max3A_314, %max3A_321 : vector<16xf32>, vector<16xf32>, vector<16xf32>, vector<16xf32>, vector<16xf32>, vector<16xf32>, vector<16xf32>, vector<16xf32>, vector<16xf32>, vector<16xf32>, vector<16xf32>, vector<16xf32>, vector<16xf32>, vector<16xf32>, vector<16xf32>, vector<16xf32>
      }
      %scan3A_249 = arith.constant 256 : i32
      scf.yield %scan3A_248#0, %scan3A_248#1, %scan3A_248#2, %scan3A_248#3, %scan3A_248#4, %scan3A_248#5, %scan3A_248#6, %scan3A_248#7, %scan3A_248#8, %scan3A_248#9, %scan3A_248#10, %scan3A_248#11, %scan3A_248#12, %scan3A_248#13, %scan3A_248#14, %scan3A_248#15 : vector<16xf32>, vector<16xf32>, vector<16xf32>, vector<16xf32>, vector<16xf32>, vector<16xf32>, vector<16xf32>, vector<16xf32>, vector<16xf32>, vector<16xf32>, vector<16xf32>, vector<16xf32>, vector<16xf32>, vector<16xf32>, vector<16xf32>, vector<16xf32>
    }
    %sub3A_69 = arith.constant 1 : i32
    %sub3A_70 = arith.subi %sub3A, %sub3A_69 : i32
    %max3A = arith.constant 1 : i32
    %max3A_71 = arith.maxsi %sub3A_70, %max3A : i32
    %while3A_72 = arith.subi %sub3A, %max3A_71 : i32
    %while3A_73 = arith.addi %max3A_71, %while3A_72 : i32
    %while3A_74 = arith.constant 1 : i32
    %while3A_75 = arith.divsi %while3A_72, %while3A_74 : i32
    %while3A_76 = arith.muli %while3A_75, %while3A_74 : i32
    %while3A_77 = arith.addi %max3A_71, %while3A_76 : i32
    %while3A_78 = arith.constant 1 : i32
    %while3A_79:16 = scf.for %while3A_203 = %max3A_71 to %while3A_77 step %while3A_78 iter_args(%while3A_204 = %while3A_68#0, %while3A_205 = %while3A_68#1, %while3A_206 = %while3A_68#2, %while3A_207 = %while3A_68#3, %while3A_208 = %while3A_68#4, %while3A_209 = %while3A_68#5, %while3A_210 = %while3A_68#6, %while3A_211 = %while3A_68#7, %while3A_212 = %while3A_68#8, %while3A_213 = %while3A_68#9, %while3A_214 = %while3A_68#10, %while3A_215 = %while3A_68#11, %while3A_216 = %while3A_68#12, %while3A_217 = %while3A_68#13, %while3A_218 = %while3A_68#14, %while3A_219 = %while3A_68#15) -> (vector<16xf32>, vector<16xf32>, vector<16xf32>, vector<16xf32>, vector<16xf32>, vector<16xf32>, vector<16xf32>, vector<16xf32>, vector<16xf32>, vector<16xf32>, vector<16xf32>, vector<16xf32>, vector<16xf32>, vector<16xf32>, vector<16xf32>, vector<16xf32>)  : i32 {
      %add3A_220 = arith.constant 1 : i32
      %add3A_221 = arith.addi %while3A_203, %add3A_220 : i32
      %lt3A = arith.cmpi slt, %add3A_221, %sub3A : i32
      %convert_element_type3A_222 = arith.extui %lt3A : i1 to i32
      %cond3A_223 = arith.constant 0 : i32
      %cond3A_224 = arith.cmpi ne, %convert_element_type3A_222, %cond3A_223 : i32
      scf.if %cond3A_224 {
        %add3A_250 = arith.constant 1 : i32
        %add3A_251 = arith.addi %while3A_203, %add3A_250 : i32
        %and3A_252 = arith.constant 1 : i32
        %and3A_253 = arith.andi %add3A_251, %and3A_252 : i32
        %eq3A_254 = arith.constant 0 : i32
        %eq3A_255 = arith.cmpi eq, %and3A_253, %eq3A_254 : i32
        %convert_element_type3A_256 = arith.extui %eq3A_255 : i1 to i32
        %cond3A_257 = arith.constant 0 : i32
        %cond3A_258 = arith.cmpi ne, %convert_element_type3A_256, %cond3A_257 : i32
        scf.if %cond3A_258 {
          %add3A_266 = arith.addi %shift_right_arithmetic3A_36, %add3A_251 : i32
          %mul3A_267 = arith.constant 256 : i32
          %mul3A_268 = arith.muli %add3A_266, %mul3A_267 : i32
          %dma_start3A = arith.constant 0 : i32
          %dma_start3A_269 = arith.constant 0 : i32
          %dma_start3A_270 = tpu.memref_slice %arg7[%dma_start3A, %dma_start3A_269] : memref<512x128xf32, #tpu.memory_space<vmem>> -> memref<256x128xf32, #tpu.memory_space<vmem>>
          %dma_start3A_271 = tpu.memref_slice %arg2[%mul3A_268, %mul3A_4] : memref<32768x256xf32, #tpu.memory_space<hbm>> -> memref<256x128xf32, #tpu.memory_space<hbm>>
          %dma_start3A_272 = arith.constant 0 : i32
          %dma_start3A_273 = arith.constant 0 : i32
          %dma_start3A_274 = tpu.memref_slice %arg7[%dma_start3A_272, %dma_start3A_273] : memref<512x128xf32, #tpu.memory_space<vmem>> -> memref<256x128xf32, #tpu.memory_space<vmem>>
          %dma_start3A_275 = tpu.memref_slice %arg2[%mul3A_268, %mul3A_4] : memref<32768x256xf32, #tpu.memory_space<hbm>> -> memref<256x128xf32, #tpu.memory_space<hbm>>
          tpu.enqueue_dma source(%dma_start3A_275 : memref<256x128xf32, #tpu.memory_space<hbm>>) target(%dma_start3A_274 : memref<256x128xf32, #tpu.memory_space<vmem>>) target_semaphore(%arg11 : memref<!tpu.dma_semaphore, #tpu.memory_space<semaphore_mem>>)
        } else {
        }
        %and3A_259 = arith.constant 1 : i32
        %and3A_260 = arith.andi %add3A_251, %and3A_259 : i32
        %eq3A_261 = arith.constant 1 : i32
        %eq3A_262 = arith.cmpi eq, %and3A_260, %eq3A_261 : i32
        %convert_element_type3A_263 = arith.extui %eq3A_262 : i1 to i32
        %cond3A_264 = arith.constant 0 : i32
        %cond3A_265 = arith.cmpi ne, %convert_element_type3A_263, %cond3A_264 : i32
        scf.if %cond3A_265 {
          %add3A_266 = arith.addi %shift_right_arithmetic3A_36, %add3A_251 : i32
          %mul3A_267 = arith.constant 256 : i32
          %mul3A_268 = arith.muli %add3A_266, %mul3A_267 : i32
          %dma_start3A = arith.constant 256 : i32
          %dma_start3A_269 = arith.constant 0 : i32
          %dma_start3A_270 = tpu.memref_slice %arg7[%dma_start3A, %dma_start3A_269] : memref<512x128xf32, #tpu.memory_space<vmem>> -> memref<256x128xf32, #tpu.memory_space<vmem>>
          %dma_start3A_271 = tpu.memref_slice %arg2[%mul3A_268, %mul3A_4] : memref<32768x256xf32, #tpu.memory_space<hbm>> -> memref<256x128xf32, #tpu.memory_space<hbm>>
          %dma_start3A_272 = arith.constant 256 : i32
          %dma_start3A_273 = arith.constant 0 : i32
          %dma_start3A_274 = tpu.memref_slice %arg7[%dma_start3A_272, %dma_start3A_273] : memref<512x128xf32, #tpu.memory_space<vmem>> -> memref<256x128xf32, #tpu.memory_space<vmem>>
          %dma_start3A_275 = tpu.memref_slice %arg2[%mul3A_268, %mul3A_4] : memref<32768x256xf32, #tpu.memory_space<hbm>> -> memref<256x128xf32, #tpu.memory_space<hbm>>
          tpu.enqueue_dma source(%dma_start3A_275 : memref<256x128xf32, #tpu.memory_space<hbm>>) target(%dma_start3A_274 : memref<256x128xf32, #tpu.memory_space<vmem>>) target_semaphore(%arg12 : memref<!tpu.dma_semaphore, #tpu.memory_space<semaphore_mem>>)
        } else {
        }
      } else {
      }
      %and3A_225 = arith.constant 1 : i32
      %and3A_226 = arith.andi %while3A_203, %and3A_225 : i32
      %eq3A_227 = arith.constant 0 : i32
      %eq3A_228 = arith.cmpi eq, %and3A_226, %eq3A_227 : i32
      %convert_element_type3A_229 = arith.extui %eq3A_228 : i1 to i32
      %cond3A_230 = arith.constant 0 : i32
      %cond3A_231 = arith.cmpi ne, %convert_element_type3A_229, %cond3A_230 : i32
      scf.if %cond3A_231 {
        %add3A_250 = arith.addi %shift_right_arithmetic3A_36, %while3A_203 : i32
        %mul3A_251 = arith.constant 256 : i32
        %mul3A_252 = arith.muli %add3A_250, %mul3A_251 : i32
        %dma_wait3A = arith.constant 0 : i32
        %dma_wait3A_253 = arith.constant 0 : i32
        %dma_wait3A_254 = tpu.memref_slice %arg7[%dma_wait3A, %dma_wait3A_253] : memref<512x128xf32, #tpu.memory_space<vmem>> -> memref<256x128xf32, #tpu.memory_space<vmem>>
        %dma_wait3A_255 = tpu.memref_slice %arg2[%mul3A_252, %mul3A_4] : memref<32768x256xf32, #tpu.memory_space<hbm>> -> memref<256x128xf32, #tpu.memory_space<hbm>>
        %dma_wait3A_256 = arith.constant 0 : i32
        %dma_wait3A_257 = arith.constant 0 : i32
        %dma_wait3A_258 = tpu.memref_slice %arg7[%dma_wait3A_256, %dma_wait3A_257] : memref<512x128xf32, #tpu.memory_space<vmem>> -> memref<256x128xf32, #tpu.memory_space<vmem>>
        %dma_wait3A_259 = tpu.memref_slice %arg2[%mul3A_252, %mul3A_4] : memref<32768x256xf32, #tpu.memory_space<hbm>> -> memref<256x128xf32, #tpu.memory_space<hbm>>
        tpu.wait_dma2 semaphore(%arg11 : memref<!tpu.dma_semaphore, #tpu.memory_space<semaphore_mem>>) src(%dma_wait3A_259 : memref<256x128xf32, #tpu.memory_space<hbm>>) dst(%dma_wait3A_258 : memref<256x128xf32, #tpu.memory_space<vmem>>)
      } else {
      }
      %and3A_232 = arith.constant 1 : i32
      %and3A_233 = arith.andi %while3A_203, %and3A_232 : i32
      %eq3A_234 = arith.constant 1 : i32
      %eq3A_235 = arith.cmpi eq, %and3A_233, %eq3A_234 : i32
      %convert_element_type3A_236 = arith.extui %eq3A_235 : i1 to i32
      %cond3A_237 = arith.constant 0 : i32
      %cond3A_238 = arith.cmpi ne, %convert_element_type3A_236, %cond3A_237 : i32
      scf.if %cond3A_238 {
        %add3A_250 = arith.addi %shift_right_arithmetic3A_36, %while3A_203 : i32
        %mul3A_251 = arith.constant 256 : i32
        %mul3A_252 = arith.muli %add3A_250, %mul3A_251 : i32
        %dma_wait3A = arith.constant 256 : i32
        %dma_wait3A_253 = arith.constant 0 : i32
        %dma_wait3A_254 = tpu.memref_slice %arg7[%dma_wait3A, %dma_wait3A_253] : memref<512x128xf32, #tpu.memory_space<vmem>> -> memref<256x128xf32, #tpu.memory_space<vmem>>
        %dma_wait3A_255 = tpu.memref_slice %arg2[%mul3A_252, %mul3A_4] : memref<32768x256xf32, #tpu.memory_space<hbm>> -> memref<256x128xf32, #tpu.memory_space<hbm>>
        %dma_wait3A_256 = arith.constant 256 : i32
        %dma_wait3A_257 = arith.constant 0 : i32
        %dma_wait3A_258 = tpu.memref_slice %arg7[%dma_wait3A_256, %dma_wait3A_257] : memref<512x128xf32, #tpu.memory_space<vmem>> -> memref<256x128xf32, #tpu.memory_space<vmem>>
        %dma_wait3A_259 = tpu.memref_slice %arg2[%mul3A_252, %mul3A_4] : memref<32768x256xf32, #tpu.memory_space<hbm>> -> memref<256x128xf32, #tpu.memory_space<hbm>>
        tpu.wait_dma2 semaphore(%arg12 : memref<!tpu.dma_semaphore, #tpu.memory_space<semaphore_mem>>) src(%dma_wait3A_259 : memref<256x128xf32, #tpu.memory_space<hbm>>) dst(%dma_wait3A_258 : memref<256x128xf32, #tpu.memory_space<vmem>>)
      } else {
      }
      %add3A_239 = arith.addi %shift_right_arithmetic3A_36, %while3A_203 : i32
      %and3A_240 = arith.constant 1 : i32
      %and3A_241 = arith.andi %while3A_203, %and3A_240 : i32
      %mul3A_242 = arith.constant 256 : i32
      %mul3A_243 = arith.muli %and3A_241, %mul3A_242 : i32
      %scan3A_244 = arith.constant 0 : i32
      %scan3A_245 = arith.constant 256 : i32
      %scan3A_246 = arith.addi %scan3A_244, %scan3A_245 : i32
      %scan3A_247 = arith.constant 1 : i32
      %scan3A_248:16 = scf.for %scan3A_250 = %scan3A_244 to %scan3A_246 step %scan3A_247 iter_args(%scan3A_251 = %while3A_204, %scan3A_252 = %while3A_205, %scan3A_253 = %while3A_206, %scan3A_254 = %while3A_207, %scan3A_255 = %while3A_208, %scan3A_256 = %while3A_209, %scan3A_257 = %while3A_210, %scan3A_258 = %while3A_211, %scan3A_259 = %while3A_212, %scan3A_260 = %while3A_213, %scan3A_261 = %while3A_214, %scan3A_262 = %while3A_215, %scan3A_263 = %while3A_216, %scan3A_264 = %while3A_217, %scan3A_265 = %while3A_218, %scan3A_266 = %while3A_219) -> (vector<16xf32>, vector<16xf32>, vector<16xf32>, vector<16xf32>, vector<16xf32>, vector<16xf32>, vector<16xf32>, vector<16xf32>, vector<16xf32>, vector<16xf32>, vector<16xf32>, vector<16xf32>, vector<16xf32>, vector<16xf32>, vector<16xf32>, vector<16xf32>)  : i32 {
        %mul3A_267 = arith.constant 256 : i32
        %mul3A_268 = arith.muli %add3A_239, %mul3A_267 : i32
        %add3A_269 = arith.addi %mul3A_268, %scan3A_250 : i32
        %ge3A = arith.cmpi sge, %add3A_269, %scan3A_23#0 : i32
        %lt3A_270 = arith.cmpi slt, %add3A_269, %scan3A_33#0 : i32
        %and3A_271 = arith.andi %ge3A, %lt3A_270 : i1
        %jit3A = arith.constant 1.000000e+00 : f32
        %jit3A_272 = arith.constant 0.000000e+00 : f32
        %select_n3A = arith.select %and3A_271, %jit3A, %jit3A_272 : f32
        %add3A_273 = vector.broadcast %select_n3A : f32 to vector<16xf32>
        %add3A_274 = arith.addf %add3A_273, %broadcast_in_dim3A_5 : vector<16xf32>
        %jit3A_275 = arith.constant 0.000000e+00 : f32
        %jit3A_276 = arith.constant 0xFF800000 : f32
        %select_n3A_277 = arith.select %and3A_271, %jit3A_275, %jit3A_276 : f32
        %add3A_278 = vector.broadcast %select_n3A_277 : f32 to vector<16xf32>
        %add3A_279 = arith.addf %add3A_278, %broadcast_in_dim3A_5 : vector<16xf32>
        %add3A_280 = arith.addi %mul3A_243, %scan3A_250 : i32
        %get3A = arith.index_cast %add3A_280 : i32 to index
        %get3A_281 = arith.constant 0 : index
        %get3A_282 = tpu.vector_load %arg7[%get3A, %get3A_281] {strides = array<i32>} : memref<512x128xf32, #tpu.memory_space<vmem>>, vector<1x16xf32>,
        %get3A_283 = vector.shape_cast %get3A_282 : vector<1x16xf32> to vector<16xf32>
        %mul3A_284 = arith.mulf %get3A_283, %add3A_274 : vector<16xf32>
        %add3A_285 = arith.addf %scan3A_251, %mul3A_284 : vector<16xf32>
        %add3A_286 = arith.addf %get3A_283, %add3A_279 : vector<16xf32>
        %max3A_287 = arith.maximumf %scan3A_259, %add3A_286 : vector<16xf32>
        %add3A_288 = arith.addi %mul3A_243, %scan3A_250 : i32
        %get3A_289 = arith.index_cast %add3A_288 : i32 to index
        %get3A_290 = arith.constant 16 : index
        %get3A_291 = tpu.vector_load %arg7[%get3A_289, %get3A_290] {strides = array<i32>} : memref<512x128xf32, #tpu.memory_space<vmem>>, vector<1x16xf32>,
        %get3A_292 = vector.shape_cast %get3A_291 : vector<1x16xf32> to vector<16xf32>
        %mul3A_293 = arith.mulf %get3A_292, %add3A_274 : vector<16xf32>
        %add3A_294 = arith.addf %scan3A_252, %mul3A_293 : vector<16xf32>
        %add3A_295 = arith.addf %get3A_292, %add3A_279 : vector<16xf32>
        %max3A_296 = arith.maximumf %scan3A_260, %add3A_295 : vector<16xf32>
        %add3A_297 = arith.addi %mul3A_243, %scan3A_250 : i32
        %get3A_298 = arith.index_cast %add3A_297 : i32 to index
        %get3A_299 = arith.constant 32 : index
        %get3A_300 = tpu.vector_load %arg7[%get3A_298, %get3A_299] {strides = array<i32>} : memref<512x128xf32, #tpu.memory_space<vmem>>, vector<1x16xf32>,
        %get3A_301 = vector.shape_cast %get3A_300 : vector<1x16xf32> to vector<16xf32>
        %mul3A_302 = arith.mulf %get3A_301, %add3A_274 : vector<16xf32>
        %add3A_303 = arith.addf %scan3A_253, %mul3A_302 : vector<16xf32>
        %add3A_304 = arith.addf %get3A_301, %add3A_279 : vector<16xf32>
        %max3A_305 = arith.maximumf %scan3A_261, %add3A_304 : vector<16xf32>
        %add3A_306 = arith.addi %mul3A_243, %scan3A_250 : i32
        %get3A_307 = arith.index_cast %add3A_306 : i32 to index
        %get3A_308 = arith.constant 48 : index
        %get3A_309 = tpu.vector_load %arg7[%get3A_307, %get3A_308] {strides = array<i32>} : memref<512x128xf32, #tpu.memory_space<vmem>>, vector<1x16xf32>,
        %get3A_310 = vector.shape_cast %get3A_309 : vector<1x16xf32> to vector<16xf32>
        %mul3A_311 = arith.mulf %get3A_310, %add3A_274 : vector<16xf32>
        %add3A_312 = arith.addf %scan3A_254, %mul3A_311 : vector<16xf32>
        %add3A_313 = arith.addf %get3A_310, %add3A_279 : vector<16xf32>
        %max3A_314 = arith.maximumf %scan3A_262, %add3A_313 : vector<16xf32>
        %add3A_315 = arith.addi %mul3A_243, %scan3A_250 : i32
        %get3A_316 = arith.index_cast %add3A_315 : i32 to index
        %get3A_317 = arith.constant 64 : index
        %get3A_318 = tpu.vector_load %arg7[%get3A_316, %get3A_317] {strides = array<i32>} : memref<512x128xf32, #tpu.memory_space<vmem>>, vector<1x16xf32>,
        %get3A_319 = vector.shape_cast %get3A_318 : vector<1x16xf32> to vector<16xf32>
        %mul3A_320 = arith.mulf %get3A_319, %add3A_274 : vector<16xf32>
        %add3A_321 = arith.addf %scan3A_255, %mul3A_320 : vector<16xf32>
        %add3A_322 = arith.addf %get3A_319, %add3A_279 : vector<16xf32>
        %max3A_323 = arith.maximumf %scan3A_263, %add3A_322 : vector<16xf32>
        %add3A_324 = arith.addi %mul3A_243, %scan3A_250 : i32
        %get3A_325 = arith.index_cast %add3A_324 : i32 to index
        %get3A_326 = arith.constant 80 : index
        %get3A_327 = tpu.vector_load %arg7[%get3A_325, %get3A_326] {strides = array<i32>} : memref<512x128xf32, #tpu.memory_space<vmem>>, vector<1x16xf32>,
        %get3A_328 = vector.shape_cast %get3A_327 : vector<1x16xf32> to vector<16xf32>
        %mul3A_329 = arith.mulf %get3A_328, %add3A_274 : vector<16xf32>
        %add3A_330 = arith.addf %scan3A_256, %mul3A_329 : vector<16xf32>
        %add3A_331 = arith.addf %get3A_328, %add3A_279 : vector<16xf32>
        %max3A_332 = arith.maximumf %scan3A_264, %add3A_331 : vector<16xf32>
        %add3A_333 = arith.addi %mul3A_243, %scan3A_250 : i32
        %get3A_334 = arith.index_cast %add3A_333 : i32 to index
        %get3A_335 = arith.constant 96 : index
        %get3A_336 = tpu.vector_load %arg7[%get3A_334, %get3A_335] {strides = array<i32>} : memref<512x128xf32, #tpu.memory_space<vmem>>, vector<1x16xf32>,
        %get3A_337 = vector.shape_cast %get3A_336 : vector<1x16xf32> to vector<16xf32>
        %mul3A_338 = arith.mulf %get3A_337, %add3A_274 : vector<16xf32>
        %add3A_339 = arith.addf %scan3A_257, %mul3A_338 : vector<16xf32>
        %add3A_340 = arith.addf %get3A_337, %add3A_279 : vector<16xf32>
        %max3A_341 = arith.maximumf %scan3A_265, %add3A_340 : vector<16xf32>
        %add3A_342 = arith.addi %mul3A_243, %scan3A_250 : i32
        %get3A_343 = arith.index_cast %add3A_342 : i32 to index
        %get3A_344 = arith.constant 112 : index
        %get3A_345 = tpu.vector_load %arg7[%get3A_343, %get3A_344] {strides = array<i32>} : memref<512x128xf32, #tpu.memory_space<vmem>>, vector<1x16xf32>,
        %get3A_346 = vector.shape_cast %get3A_345 : vector<1x16xf32> to vector<16xf32>
        %mul3A_347 = arith.mulf %get3A_346, %add3A_274 : vector<16xf32>
        %add3A_348 = arith.addf %scan3A_258, %mul3A_347 : vector<16xf32>
        %add3A_349 = arith.addf %get3A_346, %add3A_279 : vector<16xf32>
        %max3A_350 = arith.maximumf %scan3A_266, %add3A_349 : vector<16xf32>
        scf.yield %add3A_285, %add3A_294, %add3A_303, %add3A_312, %add3A_321, %add3A_330, %add3A_339, %add3A_348, %max3A_287, %max3A_296, %max3A_305, %max3A_314, %max3A_323, %max3A_332, %max3A_341, %max3A_350 : vector<16xf32>, vector<16xf32>, vector<16xf32>, vector<16xf32>, vector<16xf32>, vector<16xf32>, vector<16xf32>, vector<16xf32>, vector<16xf32>, vector<16xf32>, vector<16xf32>, vector<16xf32>, vector<16xf32>, vector<16xf32>, vector<16xf32>, vector<16xf32>
      }
      %scan3A_249 = arith.constant 256 : i32
      scf.yield %scan3A_248#0, %scan3A_248#1, %scan3A_248#2, %scan3A_248#3, %scan3A_248#4, %scan3A_248#5, %scan3A_248#6, %scan3A_248#7, %scan3A_248#8, %scan3A_248#9, %scan3A_248#10, %scan3A_248#11, %scan3A_248#12, %scan3A_248#13, %scan3A_248#14, %scan3A_248#15 : vector<16xf32>, vector<16xf32>, vector<16xf32>, vector<16xf32>, vector<16xf32>, vector<16xf32>, vector<16xf32>, vector<16xf32>, vector<16xf32>, vector<16xf32>, vector<16xf32>, vector<16xf32>, vector<16xf32>, vector<16xf32>, vector<16xf32>, vector<16xf32>
    }
    %while3A_80 = arith.constant 1 : i32
    %while3A_81:16 = scf.for %while3A_203 = %while3A_77 to %while3A_73 step %while3A_80 iter_args(%while3A_204 = %while3A_79#0, %while3A_205 = %while3A_79#1, %while3A_206 = %while3A_79#2, %while3A_207 = %while3A_79#3, %while3A_208 = %while3A_79#4, %while3A_209 = %while3A_79#5, %while3A_210 = %while3A_79#6, %while3A_211 = %while3A_79#7, %while3A_212 = %while3A_79#8, %while3A_213 = %while3A_79#9, %while3A_214 = %while3A_79#10, %while3A_215 = %while3A_79#11, %while3A_216 = %while3A_79#12, %while3A_217 = %while3A_79#13, %while3A_218 = %while3A_79#14, %while3A_219 = %while3A_79#15) -> (vector<16xf32>, vector<16xf32>, vector<16xf32>, vector<16xf32>, vector<16xf32>, vector<16xf32>, vector<16xf32>, vector<16xf32>, vector<16xf32>, vector<16xf32>, vector<16xf32>, vector<16xf32>, vector<16xf32>, vector<16xf32>, vector<16xf32>, vector<16xf32>)  : i32 {
      %add3A_220 = arith.constant 1 : i32
      %add3A_221 = arith.addi %while3A_203, %add3A_220 : i32
      %lt3A = arith.cmpi slt, %add3A_221, %sub3A : i32
      %convert_element_type3A_222 = arith.extui %lt3A : i1 to i32
      %cond3A_223 = arith.constant 0 : i32
      %cond3A_224 = arith.cmpi ne, %convert_element_type3A_222, %cond3A_223 : i32
      scf.if %cond3A_224 {
        %add3A_250 = arith.constant 1 : i32
        %add3A_251 = arith.addi %while3A_203, %add3A_250 : i32
        %and3A_252 = arith.constant 1 : i32
        %and3A_253 = arith.andi %add3A_251, %and3A_252 : i32
        %eq3A_254 = arith.constant 0 : i32
        %eq3A_255 = arith.cmpi eq, %and3A_253, %eq3A_254 : i32
        %convert_element_type3A_256 = arith.extui %eq3A_255 : i1 to i32
        %cond3A_257 = arith.constant 0 : i32
        %cond3A_258 = arith.cmpi ne, %convert_element_type3A_256, %cond3A_257 : i32
        scf.if %cond3A_258 {
          %add3A_266 = arith.addi %shift_right_arithmetic3A_36, %add3A_251 : i32
          %mul3A_267 = arith.constant 256 : i32
          %mul3A_268 = arith.muli %add3A_266, %mul3A_267 : i32
          %dma_start3A = arith.constant 0 : i32
          %dma_start3A_269 = arith.constant 0 : i32
          %dma_start3A_270 = tpu.memref_slice %arg7[%dma_start3A, %dma_start3A_269] : memref<512x128xf32, #tpu.memory_space<vmem>> -> memref<256x128xf32, #tpu.memory_space<vmem>>
          %dma_start3A_271 = tpu.memref_slice %arg2[%mul3A_268, %mul3A_4] : memref<32768x256xf32, #tpu.memory_space<hbm>> -> memref<256x128xf32, #tpu.memory_space<hbm>>
          %dma_start3A_272 = arith.constant 0 : i32
          %dma_start3A_273 = arith.constant 0 : i32
          %dma_start3A_274 = tpu.memref_slice %arg7[%dma_start3A_272, %dma_start3A_273] : memref<512x128xf32, #tpu.memory_space<vmem>> -> memref<256x128xf32, #tpu.memory_space<vmem>>
          %dma_start3A_275 = tpu.memref_slice %arg2[%mul3A_268, %mul3A_4] : memref<32768x256xf32, #tpu.memory_space<hbm>> -> memref<256x128xf32, #tpu.memory_space<hbm>>
          tpu.enqueue_dma source(%dma_start3A_275 : memref<256x128xf32, #tpu.memory_space<hbm>>) target(%dma_start3A_274 : memref<256x128xf32, #tpu.memory_space<vmem>>) target_semaphore(%arg11 : memref<!tpu.dma_semaphore, #tpu.memory_space<semaphore_mem>>)
        } else {
        }
        %and3A_259 = arith.constant 1 : i32
        %and3A_260 = arith.andi %add3A_251, %and3A_259 : i32
        %eq3A_261 = arith.constant 1 : i32
        %eq3A_262 = arith.cmpi eq, %and3A_260, %eq3A_261 : i32
        %convert_element_type3A_263 = arith.extui %eq3A_262 : i1 to i32
        %cond3A_264 = arith.constant 0 : i32
        %cond3A_265 = arith.cmpi ne, %convert_element_type3A_263, %cond3A_264 : i32
        scf.if %cond3A_265 {
          %add3A_266 = arith.addi %shift_right_arithmetic3A_36, %add3A_251 : i32
          %mul3A_267 = arith.constant 256 : i32
          %mul3A_268 = arith.muli %add3A_266, %mul3A_267 : i32
          %dma_start3A = arith.constant 256 : i32
          %dma_start3A_269 = arith.constant 0 : i32
          %dma_start3A_270 = tpu.memref_slice %arg7[%dma_start3A, %dma_start3A_269] : memref<512x128xf32, #tpu.memory_space<vmem>> -> memref<256x128xf32, #tpu.memory_space<vmem>>
          %dma_start3A_271 = tpu.memref_slice %arg2[%mul3A_268, %mul3A_4] : memref<32768x256xf32, #tpu.memory_space<hbm>> -> memref<256x128xf32, #tpu.memory_space<hbm>>
          %dma_start3A_272 = arith.constant 256 : i32
          %dma_start3A_273 = arith.constant 0 : i32
          %dma_start3A_274 = tpu.memref_slice %arg7[%dma_start3A_272, %dma_start3A_273] : memref<512x128xf32, #tpu.memory_space<vmem>> -> memref<256x128xf32, #tpu.memory_space<vmem>>
          %dma_start3A_275 = tpu.memref_slice %arg2[%mul3A_268, %mul3A_4] : memref<32768x256xf32, #tpu.memory_space<hbm>> -> memref<256x128xf32, #tpu.memory_space<hbm>>
          tpu.enqueue_dma source(%dma_start3A_275 : memref<256x128xf32, #tpu.memory_space<hbm>>) target(%dma_start3A_274 : memref<256x128xf32, #tpu.memory_space<vmem>>) target_semaphore(%arg12 : memref<!tpu.dma_semaphore, #tpu.memory_space<semaphore_mem>>)
        } else {
        }
      } else {
      }
      %and3A_225 = arith.constant 1 : i32
      %and3A_226 = arith.andi %while3A_203, %and3A_225 : i32
      %eq3A_227 = arith.constant 0 : i32
      %eq3A_228 = arith.cmpi eq, %and3A_226, %eq3A_227 : i32
      %convert_element_type3A_229 = arith.extui %eq3A_228 : i1 to i32
      %cond3A_230 = arith.constant 0 : i32
      %cond3A_231 = arith.cmpi ne, %convert_element_type3A_229, %cond3A_230 : i32
      scf.if %cond3A_231 {
        %add3A_250 = arith.addi %shift_right_arithmetic3A_36, %while3A_203 : i32
        %mul3A_251 = arith.constant 256 : i32
        %mul3A_252 = arith.muli %add3A_250, %mul3A_251 : i32
        %dma_wait3A = arith.constant 0 : i32
        %dma_wait3A_253 = arith.constant 0 : i32
        %dma_wait3A_254 = tpu.memref_slice %arg7[%dma_wait3A, %dma_wait3A_253] : memref<512x128xf32, #tpu.memory_space<vmem>> -> memref<256x128xf32, #tpu.memory_space<vmem>>
        %dma_wait3A_255 = tpu.memref_slice %arg2[%mul3A_252, %mul3A_4] : memref<32768x256xf32, #tpu.memory_space<hbm>> -> memref<256x128xf32, #tpu.memory_space<hbm>>
        %dma_wait3A_256 = arith.constant 0 : i32
        %dma_wait3A_257 = arith.constant 0 : i32
        %dma_wait3A_258 = tpu.memref_slice %arg7[%dma_wait3A_256, %dma_wait3A_257] : memref<512x128xf32, #tpu.memory_space<vmem>> -> memref<256x128xf32, #tpu.memory_space<vmem>>
        %dma_wait3A_259 = tpu.memref_slice %arg2[%mul3A_252, %mul3A_4] : memref<32768x256xf32, #tpu.memory_space<hbm>> -> memref<256x128xf32, #tpu.memory_space<hbm>>
        tpu.wait_dma2 semaphore(%arg11 : memref<!tpu.dma_semaphore, #tpu.memory_space<semaphore_mem>>) src(%dma_wait3A_259 : memref<256x128xf32, #tpu.memory_space<hbm>>) dst(%dma_wait3A_258 : memref<256x128xf32, #tpu.memory_space<vmem>>)
      } else {
      }
      %and3A_232 = arith.constant 1 : i32
      %and3A_233 = arith.andi %while3A_203, %and3A_232 : i32
      %eq3A_234 = arith.constant 1 : i32
      %eq3A_235 = arith.cmpi eq, %and3A_233, %eq3A_234 : i32
      %convert_element_type3A_236 = arith.extui %eq3A_235 : i1 to i32
      %cond3A_237 = arith.constant 0 : i32
      %cond3A_238 = arith.cmpi ne, %convert_element_type3A_236, %cond3A_237 : i32
      scf.if %cond3A_238 {
        %add3A_250 = arith.addi %shift_right_arithmetic3A_36, %while3A_203 : i32
        %mul3A_251 = arith.constant 256 : i32
        %mul3A_252 = arith.muli %add3A_250, %mul3A_251 : i32
        %dma_wait3A = arith.constant 256 : i32
        %dma_wait3A_253 = arith.constant 0 : i32
        %dma_wait3A_254 = tpu.memref_slice %arg7[%dma_wait3A, %dma_wait3A_253] : memref<512x128xf32, #tpu.memory_space<vmem>> -> memref<256x128xf32, #tpu.memory_space<vmem>>
        %dma_wait3A_255 = tpu.memref_slice %arg2[%mul3A_252, %mul3A_4] : memref<32768x256xf32, #tpu.memory_space<hbm>> -> memref<256x128xf32, #tpu.memory_space<hbm>>
        %dma_wait3A_256 = arith.constant 256 : i32
        %dma_wait3A_257 = arith.constant 0 : i32
        %dma_wait3A_258 = tpu.memref_slice %arg7[%dma_wait3A_256, %dma_wait3A_257] : memref<512x128xf32, #tpu.memory_space<vmem>> -> memref<256x128xf32, #tpu.memory_space<vmem>>
        %dma_wait3A_259 = tpu.memref_slice %arg2[%mul3A_252, %mul3A_4] : memref<32768x256xf32, #tpu.memory_space<hbm>> -> memref<256x128xf32, #tpu.memory_space<hbm>>
        tpu.wait_dma2 semaphore(%arg12 : memref<!tpu.dma_semaphore, #tpu.memory_space<semaphore_mem>>) src(%dma_wait3A_259 : memref<256x128xf32, #tpu.memory_space<hbm>>) dst(%dma_wait3A_258 : memref<256x128xf32, #tpu.memory_space<vmem>>)
      } else {
      }
      %add3A_239 = arith.addi %shift_right_arithmetic3A_36, %while3A_203 : i32
      %and3A_240 = arith.constant 1 : i32
      %and3A_241 = arith.andi %while3A_203, %and3A_240 : i32
      %mul3A_242 = arith.constant 256 : i32
      %mul3A_243 = arith.muli %and3A_241, %mul3A_242 : i32
      %scan3A_244 = arith.constant 0 : i32
      %scan3A_245 = arith.constant 256 : i32
      %scan3A_246 = arith.addi %scan3A_244, %scan3A_245 : i32
      %scan3A_247 = arith.constant 1 : i32
      %scan3A_248:16 = scf.for %scan3A_250 = %scan3A_244 to %scan3A_246 step %scan3A_247 iter_args(%scan3A_251 = %while3A_204, %scan3A_252 = %while3A_205, %scan3A_253 = %while3A_206, %scan3A_254 = %while3A_207, %scan3A_255 = %while3A_208, %scan3A_256 = %while3A_209, %scan3A_257 = %while3A_210, %scan3A_258 = %while3A_211, %scan3A_259 = %while3A_212, %scan3A_260 = %while3A_213, %scan3A_261 = %while3A_214, %scan3A_262 = %while3A_215, %scan3A_263 = %while3A_216, %scan3A_264 = %while3A_217, %scan3A_265 = %while3A_218, %scan3A_266 = %while3A_219) -> (vector<16xf32>, vector<16xf32>, vector<16xf32>, vector<16xf32>, vector<16xf32>, vector<16xf32>, vector<16xf32>, vector<16xf32>, vector<16xf32>, vector<16xf32>, vector<16xf32>, vector<16xf32>, vector<16xf32>, vector<16xf32>, vector<16xf32>, vector<16xf32>)  : i32 {
        %mul3A_267 = arith.constant 256 : i32
        %mul3A_268 = arith.muli %add3A_239, %mul3A_267 : i32
        %add3A_269 = arith.addi %mul3A_268, %scan3A_250 : i32
        %ge3A = arith.cmpi sge, %add3A_269, %scan3A_23#0 : i32
        %lt3A_270 = arith.cmpi slt, %add3A_269, %scan3A_33#0 : i32
        %and3A_271 = arith.andi %ge3A, %lt3A_270 : i1
        %jit3A = arith.constant 1.000000e+00 : f32
        %jit3A_272 = arith.constant 0.000000e+00 : f32
        %select_n3A = arith.select %and3A_271, %jit3A, %jit3A_272 : f32
        %add3A_273 = vector.broadcast %select_n3A : f32 to vector<16xf32>
        %add3A_274 = arith.addf %add3A_273, %broadcast_in_dim3A_5 : vector<16xf32>
        %jit3A_275 = arith.constant 0.000000e+00 : f32
        %jit3A_276 = arith.constant 0xFF800000 : f32
        %select_n3A_277 = arith.select %and3A_271, %jit3A_275, %jit3A_276 : f32
        %add3A_278 = vector.broadcast %select_n3A_277 : f32 to vector<16xf32>
        %add3A_279 = arith.addf %add3A_278, %broadcast_in_dim3A_5 : vector<16xf32>
        %add3A_280 = arith.addi %mul3A_243, %scan3A_250 : i32
        %get3A = arith.index_cast %add3A_280 : i32 to index
        %get3A_281 = arith.constant 0 : index
        %get3A_282 = tpu.vector_load %arg7[%get3A, %get3A_281] {strides = array<i32>} : memref<512x128xf32, #tpu.memory_space<vmem>>, vector<1x16xf32>,
        %get3A_283 = vector.shape_cast %get3A_282 : vector<1x16xf32> to vector<16xf32>
        %mul3A_284 = arith.mulf %get3A_283, %add3A_274 : vector<16xf32>
        %add3A_285 = arith.addf %scan3A_251, %mul3A_284 : vector<16xf32>
        %add3A_286 = arith.addf %get3A_283, %add3A_279 : vector<16xf32>
        %max3A_287 = arith.maximumf %scan3A_259, %add3A_286 : vector<16xf32>
        %add3A_288 = arith.addi %mul3A_243, %scan3A_250 : i32
        %get3A_289 = arith.index_cast %add3A_288 : i32 to index
        %get3A_290 = arith.constant 16 : index
        %get3A_291 = tpu.vector_load %arg7[%get3A_289, %get3A_290] {strides = array<i32>} : memref<512x128xf32, #tpu.memory_space<vmem>>, vector<1x16xf32>,
        %get3A_292 = vector.shape_cast %get3A_291 : vector<1x16xf32> to vector<16xf32>
        %mul3A_293 = arith.mulf %get3A_292, %add3A_274 : vector<16xf32>
        %add3A_294 = arith.addf %scan3A_252, %mul3A_293 : vector<16xf32>
        %add3A_295 = arith.addf %get3A_292, %add3A_279 : vector<16xf32>
        %max3A_296 = arith.maximumf %scan3A_260, %add3A_295 : vector<16xf32>
        %add3A_297 = arith.addi %mul3A_243, %scan3A_250 : i32
        %get3A_298 = arith.index_cast %add3A_297 : i32 to index
        %get3A_299 = arith.constant 32 : index
        %get3A_300 = tpu.vector_load %arg7[%get3A_298, %get3A_299] {strides = array<i32>} : memref<512x128xf32, #tpu.memory_space<vmem>>, vector<1x16xf32>,
        %get3A_301 = vector.shape_cast %get3A_300 : vector<1x16xf32> to vector<16xf32>
        %mul3A_302 = arith.mulf %get3A_301, %add3A_274 : vector<16xf32>
        %add3A_303 = arith.addf %scan3A_253, %mul3A_302 : vector<16xf32>
        %add3A_304 = arith.addf %get3A_301, %add3A_279 : vector<16xf32>
        %max3A_305 = arith.maximumf %scan3A_261, %add3A_304 : vector<16xf32>
        %add3A_306 = arith.addi %mul3A_243, %scan3A_250 : i32
        %get3A_307 = arith.index_cast %add3A_306 : i32 to index
        %get3A_308 = arith.constant 48 : index
        %get3A_309 = tpu.vector_load %arg7[%get3A_307, %get3A_308] {strides = array<i32>} : memref<512x128xf32, #tpu.memory_space<vmem>>, vector<1x16xf32>,
        %get3A_310 = vector.shape_cast %get3A_309 : vector<1x16xf32> to vector<16xf32>
        %mul3A_311 = arith.mulf %get3A_310, %add3A_274 : vector<16xf32>
        %add3A_312 = arith.addf %scan3A_254, %mul3A_311 : vector<16xf32>
        %add3A_313 = arith.addf %get3A_310, %add3A_279 : vector<16xf32>
        %max3A_314 = arith.maximumf %scan3A_262, %add3A_313 : vector<16xf32>
        %add3A_315 = arith.addi %mul3A_243, %scan3A_250 : i32
        %get3A_316 = arith.index_cast %add3A_315 : i32 to index
        %get3A_317 = arith.constant 64 : index
        %get3A_318 = tpu.vector_load %arg7[%get3A_316, %get3A_317] {strides = array<i32>} : memref<512x128xf32, #tpu.memory_space<vmem>>, vector<1x16xf32>,
        %get3A_319 = vector.shape_cast %get3A_318 : vector<1x16xf32> to vector<16xf32>
        %mul3A_320 = arith.mulf %get3A_319, %add3A_274 : vector<16xf32>
        %add3A_321 = arith.addf %scan3A_255, %mul3A_320 : vector<16xf32>
        %add3A_322 = arith.addf %get3A_319, %add3A_279 : vector<16xf32>
        %max3A_323 = arith.maximumf %scan3A_263, %add3A_322 : vector<16xf32>
        %add3A_324 = arith.addi %mul3A_243, %scan3A_250 : i32
        %get3A_325 = arith.index_cast %add3A_324 : i32 to index
        %get3A_326 = arith.constant 80 : index
        %get3A_327 = tpu.vector_load %arg7[%get3A_325, %get3A_326] {strides = array<i32>} : memref<512x128xf32, #tpu.memory_space<vmem>>, vector<1x16xf32>,
        %get3A_328 = vector.shape_cast %get3A_327 : vector<1x16xf32> to vector<16xf32>
        %mul3A_329 = arith.mulf %get3A_328, %add3A_274 : vector<16xf32>
        %add3A_330 = arith.addf %scan3A_256, %mul3A_329 : vector<16xf32>
        %add3A_331 = arith.addf %get3A_328, %add3A_279 : vector<16xf32>
        %max3A_332 = arith.maximumf %scan3A_264, %add3A_331 : vector<16xf32>
        %add3A_333 = arith.addi %mul3A_243, %scan3A_250 : i32
        %get3A_334 = arith.index_cast %add3A_333 : i32 to index
        %get3A_335 = arith.constant 96 : index
        %get3A_336 = tpu.vector_load %arg7[%get3A_334, %get3A_335] {strides = array<i32>} : memref<512x128xf32, #tpu.memory_space<vmem>>, vector<1x16xf32>,
        %get3A_337 = vector.shape_cast %get3A_336 : vector<1x16xf32> to vector<16xf32>
        %mul3A_338 = arith.mulf %get3A_337, %add3A_274 : vector<16xf32>
        %add3A_339 = arith.addf %scan3A_257, %mul3A_338 : vector<16xf32>
        %add3A_340 = arith.addf %get3A_337, %add3A_279 : vector<16xf32>
        %max3A_341 = arith.maximumf %scan3A_265, %add3A_340 : vector<16xf32>
        %add3A_342 = arith.addi %mul3A_243, %scan3A_250 : i32
        %get3A_343 = arith.index_cast %add3A_342 : i32 to index
        %get3A_344 = arith.constant 112 : index
        %get3A_345 = tpu.vector_load %arg7[%get3A_343, %get3A_344] {strides = array<i32>} : memref<512x128xf32, #tpu.memory_space<vmem>>, vector<1x16xf32>,
        %get3A_346 = vector.shape_cast %get3A_345 : vector<1x16xf32> to vector<16xf32>
        %mul3A_347 = arith.mulf %get3A_346, %add3A_274 : vector<16xf32>
        %add3A_348 = arith.addf %scan3A_258, %mul3A_347 : vector<16xf32>
        %add3A_349 = arith.addf %get3A_346, %add3A_279 : vector<16xf32>
        %max3A_350 = arith.maximumf %scan3A_266, %add3A_349 : vector<16xf32>
        scf.yield %add3A_285, %add3A_294, %add3A_303, %add3A_312, %add3A_321, %add3A_330, %add3A_339, %add3A_348, %max3A_287, %max3A_296, %max3A_305, %max3A_314, %max3A_323, %max3A_332, %max3A_341, %max3A_350 : vector<16xf32>, vector<16xf32>, vector<16xf32>, vector<16xf32>, vector<16xf32>, vector<16xf32>, vector<16xf32>, vector<16xf32>, vector<16xf32>, vector<16xf32>, vector<16xf32>, vector<16xf32>, vector<16xf32>, vector<16xf32>, vector<16xf32>, vector<16xf32>
      }
      %scan3A_249 = arith.constant 256 : i32
      scf.yield %scan3A_248#0, %scan3A_248#1, %scan3A_248#2, %scan3A_248#3, %scan3A_248#4, %scan3A_248#5, %scan3A_248#6, %scan3A_248#7, %scan3A_248#8, %scan3A_248#9, %scan3A_248#10, %scan3A_248#11, %scan3A_248#12, %scan3A_248#13, %scan3A_248#14, %scan3A_248#15 : vector<16xf32>, vector<16xf32>, vector<16xf32>, vector<16xf32>, vector<16xf32>, vector<16xf32>, vector<16xf32>, vector<16xf32>, vector<16xf32>, vector<16xf32>, vector<16xf32>, vector<16xf32>, vector<16xf32>, vector<16xf32>, vector<16xf32>, vector<16xf32>
    }
    %sub3A_82 = arith.subi %scan3A_33#0, %scan3A_23#0 : i32
    %convert_element_type3A_83 = arith.sitofp %sub3A_82 : i32 to f32
    %add3A_84 = vector.broadcast %convert_element_type3A_83 : f32 to vector<16xf32>
    %add3A_85 = arith.addf %broadcast_in_dim3A_5, %add3A_84 : vector<16xf32>
    %max3A_86 = arith.constant 1.000000e+00 : f32
    %max3A_87 = vector.broadcast %max3A_86 : f32 to vector<16xf32>
    %max3A_88 = arith.maximumf %add3A_85, %max3A_87 : vector<16xf32>
    %div3A = arith.constant 1.000000e+00 : f32
    %div3A_89 = vector.broadcast %div3A : f32 to vector<16xf32>
    %div3A_90 = arith.divf %div3A_89, %max3A_88 : vector<16xf32>
    %mul3A_91 = arith.mulf %while3A_81#0, %div3A_90 : vector<16xf32>
    %swap3A_92 = arith.constant 0 : i32
    %swap3A_93 = arith.index_cast %swap3A_92 : i32 to index
    %swap3A_94 = arith.constant 0 : index
    %swap3A_95 = tpu.vector_load %arg8[%swap3A_93, %swap3A_94] {strides = array<i32>} : memref<2x128xf32, #tpu.memory_space<vmem>>, vector<1x16xf32>,
    %swap3A_96 = vector.shape_cast %swap3A_95 : vector<1x16xf32> to vector<16xf32>
    %swap3A_97 = vector.shape_cast %mul3A_91 : vector<16xf32> to vector<1x16xf32>
    tpu.vector_store %arg8[%swap3A_93, %swap3A_94], %swap3A_97 {strides = array<i32>} : memref<2x128xf32, #tpu.memory_space<vmem>>, vector<1x16xf32>,
    %swap3A_98 = arith.constant 1 : i32
    %swap3A_99 = arith.index_cast %swap3A_98 : i32 to index
    %swap3A_100 = arith.constant 0 : index
    %swap3A_101 = tpu.vector_load %arg8[%swap3A_99, %swap3A_100] {strides = array<i32>} : memref<2x128xf32, #tpu.memory_space<vmem>>, vector<1x16xf32>,
    %swap3A_102 = vector.shape_cast %swap3A_101 : vector<1x16xf32> to vector<16xf32>
    %swap3A_103 = vector.shape_cast %while3A_81#8 : vector<16xf32> to vector<1x16xf32>
    tpu.vector_store %arg8[%swap3A_99, %swap3A_100], %swap3A_103 {strides = array<i32>} : memref<2x128xf32, #tpu.memory_space<vmem>>, vector<1x16xf32>,
    %mul3A_104 = arith.mulf %while3A_81#1, %div3A_90 : vector<16xf32>
    %swap3A_105 = arith.constant 0 : i32
    %swap3A_106 = arith.index_cast %swap3A_105 : i32 to index
    %swap3A_107 = arith.constant 16 : index
    %swap3A_108 = tpu.vector_load %arg8[%swap3A_106, %swap3A_107] {strides = array<i32>} : memref<2x128xf32, #tpu.memory_space<vmem>>, vector<1x16xf32>,
    %swap3A_109 = vector.shape_cast %swap3A_108 : vector<1x16xf32> to vector<16xf32>
    %swap3A_110 = vector.shape_cast %mul3A_104 : vector<16xf32> to vector<1x16xf32>
    tpu.vector_store %arg8[%swap3A_106, %swap3A_107], %swap3A_110 {strides = array<i32>} : memref<2x128xf32, #tpu.memory_space<vmem>>, vector<1x16xf32>,
    %swap3A_111 = arith.constant 1 : i32
    %swap3A_112 = arith.index_cast %swap3A_111 : i32 to index
    %swap3A_113 = arith.constant 16 : index
    %swap3A_114 = tpu.vector_load %arg8[%swap3A_112, %swap3A_113] {strides = array<i32>} : memref<2x128xf32, #tpu.memory_space<vmem>>, vector<1x16xf32>,
    %swap3A_115 = vector.shape_cast %swap3A_114 : vector<1x16xf32> to vector<16xf32>
    %swap3A_116 = vector.shape_cast %while3A_81#9 : vector<16xf32> to vector<1x16xf32>
    tpu.vector_store %arg8[%swap3A_112, %swap3A_113], %swap3A_116 {strides = array<i32>} : memref<2x128xf32, #tpu.memory_space<vmem>>, vector<1x16xf32>,
    %mul3A_117 = arith.mulf %while3A_81#2, %div3A_90 : vector<16xf32>
    %swap3A_118 = arith.constant 0 : i32
    %swap3A_119 = arith.index_cast %swap3A_118 : i32 to index
    %swap3A_120 = arith.constant 32 : index
    %swap3A_121 = tpu.vector_load %arg8[%swap3A_119, %swap3A_120] {strides = array<i32>} : memref<2x128xf32, #tpu.memory_space<vmem>>, vector<1x16xf32>,
    %swap3A_122 = vector.shape_cast %swap3A_121 : vector<1x16xf32> to vector<16xf32>
    %swap3A_123 = vector.shape_cast %mul3A_117 : vector<16xf32> to vector<1x16xf32>
    tpu.vector_store %arg8[%swap3A_119, %swap3A_120], %swap3A_123 {strides = array<i32>} : memref<2x128xf32, #tpu.memory_space<vmem>>, vector<1x16xf32>,
    %swap3A_124 = arith.constant 1 : i32
    %swap3A_125 = arith.index_cast %swap3A_124 : i32 to index
    %swap3A_126 = arith.constant 32 : index
    %swap3A_127 = tpu.vector_load %arg8[%swap3A_125, %swap3A_126] {strides = array<i32>} : memref<2x128xf32, #tpu.memory_space<vmem>>, vector<1x16xf32>,
    %swap3A_128 = vector.shape_cast %swap3A_127 : vector<1x16xf32> to vector<16xf32>
    %swap3A_129 = vector.shape_cast %while3A_81#10 : vector<16xf32> to vector<1x16xf32>
    tpu.vector_store %arg8[%swap3A_125, %swap3A_126], %swap3A_129 {strides = array<i32>} : memref<2x128xf32, #tpu.memory_space<vmem>>, vector<1x16xf32>,
    %mul3A_130 = arith.mulf %while3A_81#3, %div3A_90 : vector<16xf32>
    %swap3A_131 = arith.constant 0 : i32
    %swap3A_132 = arith.index_cast %swap3A_131 : i32 to index
    %swap3A_133 = arith.constant 48 : index
    %swap3A_134 = tpu.vector_load %arg8[%swap3A_132, %swap3A_133] {strides = array<i32>} : memref<2x128xf32, #tpu.memory_space<vmem>>, vector<1x16xf32>,
    %swap3A_135 = vector.shape_cast %swap3A_134 : vector<1x16xf32> to vector<16xf32>
    %swap3A_136 = vector.shape_cast %mul3A_130 : vector<16xf32> to vector<1x16xf32>
    tpu.vector_store %arg8[%swap3A_132, %swap3A_133], %swap3A_136 {strides = array<i32>} : memref<2x128xf32, #tpu.memory_space<vmem>>, vector<1x16xf32>,
    %swap3A_137 = arith.constant 1 : i32
    %swap3A_138 = arith.index_cast %swap3A_137 : i32 to index
    %swap3A_139 = arith.constant 48 : index
    %swap3A_140 = tpu.vector_load %arg8[%swap3A_138, %swap3A_139] {strides = array<i32>} : memref<2x128xf32, #tpu.memory_space<vmem>>, vector<1x16xf32>,
    %swap3A_141 = vector.shape_cast %swap3A_140 : vector<1x16xf32> to vector<16xf32>
    %swap3A_142 = vector.shape_cast %while3A_81#11 : vector<16xf32> to vector<1x16xf32>
    tpu.vector_store %arg8[%swap3A_138, %swap3A_139], %swap3A_142 {strides = array<i32>} : memref<2x128xf32, #tpu.memory_space<vmem>>, vector<1x16xf32>,
    %mul3A_143 = arith.mulf %while3A_81#4, %div3A_90 : vector<16xf32>
    %swap3A_144 = arith.constant 0 : i32
    %swap3A_145 = arith.index_cast %swap3A_144 : i32 to index
    %swap3A_146 = arith.constant 64 : index
    %swap3A_147 = tpu.vector_load %arg8[%swap3A_145, %swap3A_146] {strides = array<i32>} : memref<2x128xf32, #tpu.memory_space<vmem>>, vector<1x16xf32>,
    %swap3A_148 = vector.shape_cast %swap3A_147 : vector<1x16xf32> to vector<16xf32>
    %swap3A_149 = vector.shape_cast %mul3A_143 : vector<16xf32> to vector<1x16xf32>
    tpu.vector_store %arg8[%swap3A_145, %swap3A_146], %swap3A_149 {strides = array<i32>} : memref<2x128xf32, #tpu.memory_space<vmem>>, vector<1x16xf32>,
    %swap3A_150 = arith.constant 1 : i32
    %swap3A_151 = arith.index_cast %swap3A_150 : i32 to index
    %swap3A_152 = arith.constant 64 : index
    %swap3A_153 = tpu.vector_load %arg8[%swap3A_151, %swap3A_152] {strides = array<i32>} : memref<2x128xf32, #tpu.memory_space<vmem>>, vector<1x16xf32>,
    %swap3A_154 = vector.shape_cast %swap3A_153 : vector<1x16xf32> to vector<16xf32>
    %swap3A_155 = vector.shape_cast %while3A_81#12 : vector<16xf32> to vector<1x16xf32>
    tpu.vector_store %arg8[%swap3A_151, %swap3A_152], %swap3A_155 {strides = array<i32>} : memref<2x128xf32, #tpu.memory_space<vmem>>, vector<1x16xf32>,
    %mul3A_156 = arith.mulf %while3A_81#5, %div3A_90 : vector<16xf32>
    %swap3A_157 = arith.constant 0 : i32
    %swap3A_158 = arith.index_cast %swap3A_157 : i32 to index
    %swap3A_159 = arith.constant 80 : index
    %swap3A_160 = tpu.vector_load %arg8[%swap3A_158, %swap3A_159] {strides = array<i32>} : memref<2x128xf32, #tpu.memory_space<vmem>>, vector<1x16xf32>,
    %swap3A_161 = vector.shape_cast %swap3A_160 : vector<1x16xf32> to vector<16xf32>
    %swap3A_162 = vector.shape_cast %mul3A_156 : vector<16xf32> to vector<1x16xf32>
    tpu.vector_store %arg8[%swap3A_158, %swap3A_159], %swap3A_162 {strides = array<i32>} : memref<2x128xf32, #tpu.memory_space<vmem>>, vector<1x16xf32>,
    %swap3A_163 = arith.constant 1 : i32
    %swap3A_164 = arith.index_cast %swap3A_163 : i32 to index
    %swap3A_165 = arith.constant 80 : index
    %swap3A_166 = tpu.vector_load %arg8[%swap3A_164, %swap3A_165] {strides = array<i32>} : memref<2x128xf32, #tpu.memory_space<vmem>>, vector<1x16xf32>,
    %swap3A_167 = vector.shape_cast %swap3A_166 : vector<1x16xf32> to vector<16xf32>
    %swap3A_168 = vector.shape_cast %while3A_81#13 : vector<16xf32> to vector<1x16xf32>
    tpu.vector_store %arg8[%swap3A_164, %swap3A_165], %swap3A_168 {strides = array<i32>} : memref<2x128xf32, #tpu.memory_space<vmem>>, vector<1x16xf32>,
    %mul3A_169 = arith.mulf %while3A_81#6, %div3A_90 : vector<16xf32>
    %swap3A_170 = arith.constant 0 : i32
    %swap3A_171 = arith.index_cast %swap3A_170 : i32 to index
    %swap3A_172 = arith.constant 96 : index
    %swap3A_173 = tpu.vector_load %arg8[%swap3A_171, %swap3A_172] {strides = array<i32>} : memref<2x128xf32, #tpu.memory_space<vmem>>, vector<1x16xf32>,
    %swap3A_174 = vector.shape_cast %swap3A_173 : vector<1x16xf32> to vector<16xf32>
    %swap3A_175 = vector.shape_cast %mul3A_169 : vector<16xf32> to vector<1x16xf32>
    tpu.vector_store %arg8[%swap3A_171, %swap3A_172], %swap3A_175 {strides = array<i32>} : memref<2x128xf32, #tpu.memory_space<vmem>>, vector<1x16xf32>,
    %swap3A_176 = arith.constant 1 : i32
    %swap3A_177 = arith.index_cast %swap3A_176 : i32 to index
    %swap3A_178 = arith.constant 96 : index
    %swap3A_179 = tpu.vector_load %arg8[%swap3A_177, %swap3A_178] {strides = array<i32>} : memref<2x128xf32, #tpu.memory_space<vmem>>, vector<1x16xf32>,
    %swap3A_180 = vector.shape_cast %swap3A_179 : vector<1x16xf32> to vector<16xf32>
    %swap3A_181 = vector.shape_cast %while3A_81#14 : vector<16xf32> to vector<1x16xf32>
    tpu.vector_store %arg8[%swap3A_177, %swap3A_178], %swap3A_181 {strides = array<i32>} : memref<2x128xf32, #tpu.memory_space<vmem>>, vector<1x16xf32>,
    %mul3A_182 = arith.mulf %while3A_81#7, %div3A_90 : vector<16xf32>
    %swap3A_183 = arith.constant 0 : i32
    %swap3A_184 = arith.index_cast %swap3A_183 : i32 to index
    %swap3A_185 = arith.constant 112 : index
    %swap3A_186 = tpu.vector_load %arg8[%swap3A_184, %swap3A_185] {strides = array<i32>} : memref<2x128xf32, #tpu.memory_space<vmem>>, vector<1x16xf32>,
    %swap3A_187 = vector.shape_cast %swap3A_186 : vector<1x16xf32> to vector<16xf32>
    %swap3A_188 = vector.shape_cast %mul3A_182 : vector<16xf32> to vector<1x16xf32>
    tpu.vector_store %arg8[%swap3A_184, %swap3A_185], %swap3A_188 {strides = array<i32>} : memref<2x128xf32, #tpu.memory_space<vmem>>, vector<1x16xf32>,
    %swap3A_189 = arith.constant 1 : i32
    %swap3A_190 = arith.index_cast %swap3A_189 : i32 to index
    %swap3A_191 = arith.constant 112 : index
    %swap3A_192 = tpu.vector_load %arg8[%swap3A_190, %swap3A_191] {strides = array<i32>} : memref<2x128xf32, #tpu.memory_space<vmem>>, vector<1x16xf32>,
    %swap3A_193 = vector.shape_cast %swap3A_192 : vector<1x16xf32> to vector<16xf32>
    %swap3A_194 = vector.shape_cast %while3A_81#15 : vector<16xf32> to vector<1x16xf32>
    tpu.vector_store %arg8[%swap3A_190, %swap3A_191], %swap3A_194 {strides = array<i32>} : memref<2x128xf32, #tpu.memory_space<vmem>>, vector<1x16xf32>,
    %run_scoped3A = arith.constant 0 : i32
    "tpu.region"() ({
      %run_scoped3A_203 = tpu.sem_alloc : memref<!tpu.dma_semaphore, #tpu.memory_space<semaphore_mem>>
      %dma_start3A = arith.constant 0 : i32
      %dma_start3A_204 = tpu.memref_slice %arg8[%run_scoped3A, %dma_start3A] : memref<2x128xf32, #tpu.memory_space<vmem>> -> memref<1x128xf32, #tpu.memory_space<vmem>>
      %dma_start3A_205 = tpu.memref_squeeze %dma_start3A_204 : memref<1x128xf32, #tpu.memory_space<vmem>> -> memref<128xf32, #tpu.memory_space<vmem>>
      %dma_start3A_206 = tpu.memref_slice %arg5[%shift_right_arithmetic3A_1, %mul3A_4] : memref<16x768xf32, #tpu.memory_space<hbm>> -> memref<1x128xf32, #tpu.memory_space<hbm>>
      %dma_start3A_207 = tpu.memref_squeeze %dma_start3A_206 : memref<1x128xf32, #tpu.memory_space<hbm>> -> memref<128xf32, #tpu.memory_space<hbm>>
      %dma_start3A_208 = tpu.memref_slice %arg5[%shift_right_arithmetic3A_1, %mul3A_4] : memref<16x768xf32, #tpu.memory_space<hbm>> -> memref<1x128xf32, #tpu.memory_space<hbm>>
      %dma_start3A_209 = tpu.memref_squeeze %dma_start3A_208 : memref<1x128xf32, #tpu.memory_space<hbm>> -> memref<128xf32, #tpu.memory_space<hbm>>
      %dma_start3A_210 = arith.constant 0 : i32
      %dma_start3A_211 = tpu.memref_slice %arg8[%run_scoped3A, %dma_start3A_210] : memref<2x128xf32, #tpu.memory_space<vmem>> -> memref<1x128xf32, #tpu.memory_space<vmem>>
      %dma_start3A_212 = tpu.memref_squeeze %dma_start3A_211 : memref<1x128xf32, #tpu.memory_space<vmem>> -> memref<128xf32, #tpu.memory_space<vmem>>
      tpu.enqueue_dma source(%dma_start3A_212 : memref<128xf32, #tpu.memory_space<vmem>>) target(%dma_start3A_209 : memref<128xf32, #tpu.memory_space<hbm>>) target_semaphore(%run_scoped3A_203 : memref<!tpu.dma_semaphore, #tpu.memory_space<semaphore_mem>>)
      %dma_wait3A = arith.constant 0 : i32
      %dma_wait3A_213 = tpu.memref_slice %arg8[%run_scoped3A, %dma_wait3A] : memref<2x128xf32, #tpu.memory_space<vmem>> -> memref<1x128xf32, #tpu.memory_space<vmem>>
      %dma_wait3A_214 = tpu.memref_squeeze %dma_wait3A_213 : memref<1x128xf32, #tpu.memory_space<vmem>> -> memref<128xf32, #tpu.memory_space<vmem>>
      %dma_wait3A_215 = tpu.memref_slice %arg5[%shift_right_arithmetic3A_1, %mul3A_4] : memref<16x768xf32, #tpu.memory_space<hbm>> -> memref<1x128xf32, #tpu.memory_space<hbm>>
      %dma_wait3A_216 = tpu.memref_squeeze %dma_wait3A_215 : memref<1x128xf32, #tpu.memory_space<hbm>> -> memref<128xf32, #tpu.memory_space<hbm>>
      %dma_wait3A_217 = tpu.memref_slice %arg5[%shift_right_arithmetic3A_1, %mul3A_4] : memref<16x768xf32, #tpu.memory_space<hbm>> -> memref<1x128xf32, #tpu.memory_space<hbm>>
      %dma_wait3A_218 = tpu.memref_squeeze %dma_wait3A_217 : memref<1x128xf32, #tpu.memory_space<hbm>> -> memref<128xf32, #tpu.memory_space<hbm>>
      %dma_wait3A_219 = arith.constant 0 : i32
      %dma_wait3A_220 = tpu.memref_slice %arg8[%run_scoped3A, %dma_wait3A_219] : memref<2x128xf32, #tpu.memory_space<vmem>> -> memref<1x128xf32, #tpu.memory_space<vmem>>
      %dma_wait3A_221 = tpu.memref_squeeze %dma_wait3A_220 : memref<1x128xf32, #tpu.memory_space<vmem>> -> memref<128xf32, #tpu.memory_space<vmem>>
      tpu.wait_dma2 semaphore(%run_scoped3A_203 : memref<!tpu.dma_semaphore, #tpu.memory_space<semaphore_mem>>) src(%dma_wait3A_221 : memref<128xf32, #tpu.memory_space<vmem>>) dst(%dma_wait3A_218 : memref<128xf32, #tpu.memory_space<hbm>>)
      tpu.yield
    }) : () -> ()
    %add3A_195 = arith.constant 256 : i32
    %add3A_196 = arith.addi %add3A_195, %mul3A_4 : i32
    %run_scoped3A_197 = arith.constant 1 : i32
    "tpu.region"() ({
      %run_scoped3A_203 = tpu.sem_alloc : memref<!tpu.dma_semaphore, #tpu.memory_space<semaphore_mem>>
      %dma_start3A = arith.constant 0 : i32
      %dma_start3A_204 = tpu.memref_slice %arg8[%run_scoped3A_197, %dma_start3A] : memref<2x128xf32, #tpu.memory_space<vmem>> -> memref<1x128xf32, #tpu.memory_space<vmem>>
      %dma_start3A_205 = tpu.memref_squeeze %dma_start3A_204 : memref<1x128xf32, #tpu.memory_space<vmem>> -> memref<128xf32, #tpu.memory_space<vmem>>
      %dma_start3A_206 = tpu.memref_slice %arg5[%shift_right_arithmetic3A_1, %add3A_196] : memref<16x768xf32, #tpu.memory_space<hbm>> -> memref<1x128xf32, #tpu.memory_space<hbm>>
      %dma_start3A_207 = tpu.memref_squeeze %dma_start3A_206 : memref<1x128xf32, #tpu.memory_space<hbm>> -> memref<128xf32, #tpu.memory_space<hbm>>
      %dma_start3A_208 = tpu.memref_slice %arg5[%shift_right_arithmetic3A_1, %add3A_196] : memref<16x768xf32, #tpu.memory_space<hbm>> -> memref<1x128xf32, #tpu.memory_space<hbm>>
      %dma_start3A_209 = tpu.memref_squeeze %dma_start3A_208 : memref<1x128xf32, #tpu.memory_space<hbm>> -> memref<128xf32, #tpu.memory_space<hbm>>
      %dma_start3A_210 = arith.constant 0 : i32
      %dma_start3A_211 = tpu.memref_slice %arg8[%run_scoped3A_197, %dma_start3A_210] : memref<2x128xf32, #tpu.memory_space<vmem>> -> memref<1x128xf32, #tpu.memory_space<vmem>>
      %dma_start3A_212 = tpu.memref_squeeze %dma_start3A_211 : memref<1x128xf32, #tpu.memory_space<vmem>> -> memref<128xf32, #tpu.memory_space<vmem>>
      tpu.enqueue_dma source(%dma_start3A_212 : memref<128xf32, #tpu.memory_space<vmem>>) target(%dma_start3A_209 : memref<128xf32, #tpu.memory_space<hbm>>) target_semaphore(%run_scoped3A_203 : memref<!tpu.dma_semaphore, #tpu.memory_space<semaphore_mem>>)
      %dma_wait3A = arith.constant 0 : i32
      %dma_wait3A_213 = tpu.memref_slice %arg8[%run_scoped3A_197, %dma_wait3A] : memref<2x128xf32, #tpu.memory_space<vmem>> -> memref<1x128xf32, #tpu.memory_space<vmem>>
      %dma_wait3A_214 = tpu.memref_squeeze %dma_wait3A_213 : memref<1x128xf32, #tpu.memory_space<vmem>> -> memref<128xf32, #tpu.memory_space<vmem>>
      %dma_wait3A_215 = tpu.memref_slice %arg5[%shift_right_arithmetic3A_1, %add3A_196] : memref<16x768xf32, #tpu.memory_space<hbm>> -> memref<1x128xf32, #tpu.memory_space<hbm>>
      %dma_wait3A_216 = tpu.memref_squeeze %dma_wait3A_215 : memref<1x128xf32, #tpu.memory_space<hbm>> -> memref<128xf32, #tpu.memory_space<hbm>>
      %dma_wait3A_217 = tpu.memref_slice %arg5[%shift_right_arithmetic3A_1, %add3A_196] : memref<16x768xf32, #tpu.memory_space<hbm>> -> memref<1x128xf32, #tpu.memory_space<hbm>>
      %dma_wait3A_218 = tpu.memref_squeeze %dma_wait3A_217 : memref<1x128xf32, #tpu.memory_space<hbm>> -> memref<128xf32, #tpu.memory_space<hbm>>
      %dma_wait3A_219 = arith.constant 0 : i32
      %dma_wait3A_220 = tpu.memref_slice %arg8[%run_scoped3A_197, %dma_wait3A_219] : memref<2x128xf32, #tpu.memory_space<vmem>> -> memref<1x128xf32, #tpu.memory_space<vmem>>
      %dma_wait3A_221 = tpu.memref_squeeze %dma_wait3A_220 : memref<1x128xf32, #tpu.memory_space<vmem>> -> memref<128xf32, #tpu.memory_space<vmem>>
      tpu.wait_dma2 semaphore(%run_scoped3A_203 : memref<!tpu.dma_semaphore, #tpu.memory_space<semaphore_mem>>) src(%dma_wait3A_221 : memref<128xf32, #tpu.memory_space<vmem>>) dst(%dma_wait3A_218 : memref<128xf32, #tpu.memory_space<hbm>>)
      tpu.yield
    }) : () -> ()
    %eq3A_198 = arith.constant 0 : i32
    %eq3A_199 = arith.cmpi eq, %add3A, %eq3A_198 : i32
    %convert_element_type3A_200 = arith.extui %eq3A_199 : i1 to i32
    %cond3A_201 = arith.constant 0 : i32
    %cond3A_202 = arith.cmpi ne, %convert_element_type3A_200, %cond3A_201 : i32
    scf.if %cond3A_202 {
      %dma_wait3A = arith.constant 0 : i32
      %dma_wait3A_203 = arith.constant 0 : i32
      %dma_wait3A_204 = tpu.memref_slice %arg2[%dma_wait3A, %dma_wait3A_203] : memref<32768x256xf32, #tpu.memory_space<hbm>> -> memref<32768x256xf32, #tpu.memory_space<hbm>>
      tpu.wait_indirect_dma semaphore(%arg13 : memref<!tpu.dma_semaphore, #tpu.memory_space<semaphore_mem>>) src(%dma_wait3A_204 : memref<32768x256xf32, #tpu.memory_space<hbm>>) dst(%arg10 : memref<16x256xf32, #tpu.memory_space<vmem>>)
      "tpu.region"() ({
        %run_scoped3A_205 = tpu.sem_alloc : memref<!tpu.dma_semaphore, #tpu.memory_space<semaphore_mem>>
        %dma_start3A = arith.constant 0 : i32
        %dma_start3A_206 = arith.constant 512 : i32
        %dma_start3A_207 = tpu.memref_slice %arg5[%dma_start3A, %dma_start3A_206] : memref<16x768xf32, #tpu.memory_space<hbm>> -> memref<16x256xf32, #tpu.memory_space<hbm>>
        %dma_start3A_208 = arith.constant 0 : i32
        %dma_start3A_209 = arith.constant 512 : i32
        %dma_start3A_210 = tpu.memref_slice %arg5[%dma_start3A_208, %dma_start3A_209] : memref<16x768xf32, #tpu.memory_space<hbm>> -> memref<16x256xf32, #tpu.memory_space<hbm>>
        tpu.enqueue_dma source(%arg10 : memref<16x256xf32, #tpu.memory_space<vmem>>) target(%dma_start3A_210 : memref<16x256xf32, #tpu.memory_space<hbm>>) target_semaphore(%run_scoped3A_205 : memref<!tpu.dma_semaphore, #tpu.memory_space<semaphore_mem>>)
        %dma_wait3A_211 = arith.constant 0 : i32
        %dma_wait3A_212 = arith.constant 512 : i32
        %dma_wait3A_213 = tpu.memref_slice %arg5[%dma_wait3A_211, %dma_wait3A_212] : memref<16x768xf32, #tpu.memory_space<hbm>> -> memref<16x256xf32, #tpu.memory_space<hbm>>
        %dma_wait3A_214 = arith.constant 0 : i32
        %dma_wait3A_215 = arith.constant 512 : i32
        %dma_wait3A_216 = tpu.memref_slice %arg5[%dma_wait3A_214, %dma_wait3A_215] : memref<16x768xf32, #tpu.memory_space<hbm>> -> memref<16x256xf32, #tpu.memory_space<hbm>>
        tpu.wait_dma2 semaphore(%run_scoped3A_205 : memref<!tpu.dma_semaphore, #tpu.memory_space<semaphore_mem>>) src(%arg10 : memref<16x256xf32, #tpu.memory_space<vmem>>) dst(%dma_wait3A_216 : memref<16x256xf32, #tpu.memory_space<hbm>>)
        tpu.yield
      }) : () -> ()
    } else {
    }
    return
  }
}

</mosaic_0001>

<sc_bundles>
// kernel: kernel.3.cloned.1.call-start
scs
__scs_entry_jumppad:
0x0: {  	(pc) =	sbr.rel $0x88, $3  }
0x1: {  	(tag) =	ssettag $0x0;
	lr =	simm.s32 $0x1  }
0x2: {  	[smem:$0x3F9E] =	sst lr;
	_ =	strace $0xD0000000  }
0x3: {  	_ = 	snop  }
0x4: {  	_ = 	snop  }
0x5: {  	_ = 	snop  }
0x6: {  	_ = 	snop  }
0x7: {  	_ = 	snop  }
__scs_overlays_trampoline_lowered:
0x8: {  	[smem:$0x3FAD] =	sst s0  }
0x9: {  	[smem:$0x3FAE] =	sst s1  }
0xa: {  	[smem:$0x3FAF] =	sst s2  }
0xb: {  	[smem:$0x3FB0] =	sst s3  }
0xc: {  	[smem:$0x3FB1] =	sst s4  }
0xd: {  	[smem:$0x3FB2] =	sst s5  }
0xe: {  	[smem:$0x3FB3] =	sst s6  }
0xf: {  	[smem:$0x3FB4] =	sst s7  }
0x10: {  	[smem:$0x3FB5] =	sst s8  }
0x11: {  	[smem:$0x3FB6] =	sst s9;
	s0 =	simm.s32 @!p0 $0x0  }
0x12: {  	s1 =	sld [smem:$0x3F9C];
	s0 =	simm.s32 @p0 $0x1  }
0x13: {  	[smem:$0x3FB7] =	sst s0;
	s0 =	simm.s32 @!p1 $0x0  }
0x14: {  	s2 =	sld [smem:$0x3F9B];
	s0 =	simm.s32 @p1 $0x1  }
0x15: {  	[smem:$0x3FB8] =	sst s0;
	s0 =	simm.s32 @!p2 $0x0  }
0x16: {  	s3 =	sld [smem:$0x3FDB];
	s0 =	simm.s32 @p2 $0x1  }
0x17: {  	s4 =	simm.s32 $0x1BF5;
	[smem:$0x3FBA] =	sst s0  }
0x18: {  	s0 =	sld [smem:$0x3F9D];
	_ =	swait.ge [sflag:s4], $0x0  }
0x19: {  	s7 =	sld [smem:$0x3F9E]  }
0x1a: {  	s8 =	sadd.s32 $0xFFFFE003, lr  }
0x1b: {  	s9 =	sadd.s32 $0xFFFFFEF7, lr;
	s5 =	simm.s32 $0xFFFFFFFF;
	p2 =	slt.u32 s8, $0xFFFFF086  }
0x1c: {  	p1 =	slt.u32 s9, $0xF7A;
	s5 =	simm.s32 @!p2 $0x0  }
0x1d: {  	s5 =	simm.s32 @p1 $0x1;
	p0 =	seq.s32 s7, s2  }
0x1e: {  	s7 =	smul.u32 @!p0 $0xF7A, s2;
	p2 =	seq.s32 @!p0 s5, $0x0  }
0x1f: {  	s9 =	smul.u32 $0xF7A, s1;
	s8 =	simm.s32 @!p0 $0x1BF5;
	p2 =	por !p2, p0  }
0x20: {  	[sflag:s8] =	ssyncset.s32 @!p0 $0xFFFFF086;
	s6 =	sadd.s32 @!p0 s3, s7;
	s7 =	simm.s32 @!p0 $0x108  }
0x21: {  	s3 =	sadd.s32 s3, s9;
	s6 =	sadd.s32 @!p0 $0x88, s6;
	s7 =	simm.s32 @p2 $0x1082  }
0x22: {  	[simem:s7], [sflag:s8] =	dma.local @!p0 [hbm:s6], $0xF7A  }
0x23: {  	s9 =	sor.u32 $0xD0000000, s2;
	s6 =	simm.s32 $0x108;
	_ =	swait.ge @!p0 [sflag:s8], $0x0  }
0x24: {  	s3 =	sadd.s32 $0x88, s3;
	s6 =	simm.s32 @!p1 $0x1082;
	[sflag:s4] =	ssyncset.s32 $0xFFFFF086  }
0x25: {  	[simem:s6], [sflag:s4] =	dma.local [hbm:s3], $0xF7A  }
0x26: {  	[smem:$0x3F9E] =	sst s1;
	(tag) =	ssettag s2;
	_ =	strace s9  }
0x27: {  	s1 =	sld [smem:$0x3FAE]  }
0x28: {  	s2 =	sld [smem:$0x3FAF]  }
0x29: {  	s4 =	sld [smem:$0x3FB1]  }
0x2a: {  	p0 =	seq.s32 s5, $0x0;
	s5 =	sld [smem:$0x3FB2]  }
0x2b: {  	s6 =	sld [smem:$0x3FB3]  }
0x2c: {  	s7 =	sld [smem:$0x3FB4]  }
0x2d: {  	s3 =	simm.s32 $0x108;
	s8 =	sld [smem:$0x3FB5]  }
0x2e: {  	s3 =	simm.s32 @!p0 $0x1082;
	s9 =	sld [smem:$0x3FB6]  }
0x2f: {  	lr =	sadd.s32 s0, s3;
	s0 =	sld [smem:$0x3FAD]  }
0x30: {  	s3 =	sld [smem:$0x3FB0]  }
0x31: {  	[smem:$0x3FB9] =	sst s10  }
0x32: {  	s10 =	sld [smem:$0x3FB7];
	_ =	sdelay $0x3  }
0x33: {  	p0 =	seq.s32 s10, $0x1;
	s10 =	sld [smem:$0x3FB9];
	_ =	sdelay $0x3  }
0x34: {  	[smem:$0x3FB9] =	sst s10  }
0x35: {  	s10 =	sld [smem:$0x3FB8];
	_ =	sdelay $0x3  }
0x36: {  	p1 =	seq.s32 s10, $0x1;
	s10 =	sld [smem:$0x3FB9];
	_ =	sdelay $0x3  }
0x37: {  	[smem:$0x3FB9] =	sst s10  }
0x38: {  	s10 =	sld [smem:$0x3FBA]  }
0x39: {  	_ = 	snop;
	(pc) =	sbr.ind lr, $3  }
0x3a: {  	_ = 	snop  }
0x3b: {  	_ = 	snop  }
0x3c: {  	p2 =	seq.s32 s10, $0x1;
	s10 =	sld [smem:$0x3FB9]  }
0x3d: {  	_ =	shalt  }
0x3e: {  	_ =	shalt  }
0x3f: {  	_ =	shalt  }
0x40: {  	_ =	shalt  }
0x41: {  	_ =	shalt  }
0x42: {  	_ =	shalt  }
0x43: {  	_ =	shalt  }
0x44: {  	_ =	shalt  }
0x45: {  	_ =	shalt  }
0x46: {  	_ =	shalt  }
0x47: {  	_ =	shalt  }
0x48: {  	_ =	shalt  }
0x49: {  	_ =	shalt  }
0x4a: {  	_ =	shalt  }
0x4b: {  	_ =	shalt  }
0x4c: {  	_ =	shalt  }
0x4d: {  	_ =	shalt  }
0x4e: {  	_ =	shalt  }
0x4f: {  	_ =	shalt  }
0x50: {  	_ =	shalt  }
0x51: {  	_ =	shalt  }
0x52: {  	_ =	shalt  }
0x53: {  	_ =	shalt  }
0x54: {  	_ =	shalt  }
0x55: {  	_ =	shalt  }
0x56: {  	_ =	shalt  }
0x57: {  	_ =	shalt  }
0x58: {  	_ =	shalt  }
0x59: {  	_ =	shalt  }
0x5a: {  	_ =	shalt  }
0x5b: {  	_ =	shalt  }
0x5c: {  	_ =	shalt  }
0x5d: {  	_ =	shalt  }
0x5e: {  	_ =	shalt  }
0x5f: {  	_ =	shalt  }
0x60: {  	_ =	shalt  }
0x61: {  	_ =	shalt  }
0x62: {  	_ =	shalt  }
0x63: {  	_ =	shalt  }
0x64: {  	_ =	shalt  }
0x65: {  	_ =	shalt  }
0x66: {  	_ =	shalt  }
0x67: {  	_ =	shalt  }
0x68: {  	_ =	shalt  }
0x69: {  	_ =	shalt  }
0x6a: {  	_ =	shalt  }
0x6b: {  	_ =	shalt  }
0x6c: {  	_ =	shalt  }
0x6d: {  	_ =	shalt  }
0x6e: {  	_ =	shalt  }
0x6f: {  	_ =	shalt  }
0x70: {  	_ =	shalt  }
0x71: {  	_ =	shalt  }
0x72: {  	_ =	shalt  }
0x73: {  	_ =	shalt  }
0x74: {  	_ =	shalt  }
0x75: {  	_ =	shalt  }
0x76: {  	_ =	shalt  }
0x77: {  	_ =	shalt  }
0x78: {  	_ =	shalt  }
0x79: {  	_ =	shalt  }
0x7a: {  	_ =	shalt  }
0x7b: {  	_ =	shalt  }
0x7c: {  	_ =	shalt  }
0x7d: {  	_ =	shalt  }
0x7e: {  	_ =	shalt  }
0x7f: {  	_ =	shalt  }
0x80: {  	_ =	shalt  }
0x81: {  	_ =	shalt  }
0x82: {  	_ =	shalt  }
0x83: {  	_ =	shalt  }
0x84: {  	_ =	shalt  }
0x85: {  	_ =	shalt  }
0x86: {  	_ =	shalt  }
0x87: {  	_ =	shalt  }
.Lfunc_end0:
.L_simem_size_0:
called_computation_lowered:
.L_overlay_start_0:
0x88: {  	s2 =	sld [smem:$0x3FD9]  }
0x89: {  	s3 =	sld [smem:$0x3FFE];
	_ =	sdelay $0x1  }
0x8a: {  	s1 =	srdreg.scid  }
0x8b: {  	s0 =	sand.u32 $0x1, s1  }
0x8c: {  	s18 =	sshll.u32 s0, $0xA;
	s2 =	sadd.s32 s3, s2  }
0x8d: {  	s2 =	sadd.s32 s2, s18  }
0x8e: {  	[smem:$0x3FC5] =	sst s2  }
0x8f: {  	_ = 	snop  }
0x90: {  	s2 =	sld [smem:$0x3FC9]  }
0x91: {  	s19 =	sld [smem:$0x3FC8]  }
0x92: {  	s4 =	sld [smem:$0x3FC7]  }
0x93: {  	s5 =	sld [smem:$0x3FD0];
	(tm) =	ssettm $0x1  }
0x94: {  	s6 =	sld [smem:$0x3FFB];
	_ =	sdelay $0x3  }
0x95: {  	_ =	strace s6  }
0x96: {  	s6 =	sld [smem:$0x3FFC];
	_ =	sdelay $0x3  }
0x97: {  	_ =	strace s6  }
0x98: {  	s6 =	sld [smem:$0x3FFD];
	_ =	sdelay $0x3  }
0x99: {  	_ =	strace s6  }
0x9a: {  	_ =	strace $0x8FFFFFFF  }
0x9b: {  	s20 =	sld [smem:$0x3FDB];
	_ =	sdelay $0x1  }
0x9c: {  	s7 =	simm.s32 $_scs_section_size  }
0x9d: {  	s8 =	simm.s32 $_size__tile_overlayer_lowered;
	s9 =	simm.s32 $_tile_overlayer_lowered  }
0x9e: {  	s23 =	simm.s32 $0x1BFF;
	s22 =	sshll.u32 s9, $0x1;
	s6 =	sadd.s32 s7, s20  }
0x9f: {  	s10 =	simm.s32 $0x0;
	s21 =	sshll.u32 s8, $0x1;
	s8 =	sadd.s32 s22, s6  }
0xa0: {  	[timem:s10], [sflag:s23] =	dma.local [hbm:s8], s21  }
0xa1: {  	_ =	swait.ge [sflag:s23], s21  }
0xa2: {  	s7 =	ssub.s32 $0x0, s21;
	[sflag:s23] =	ssyncset.done $0x0  }
0xa3: {  	[sflag:s23] =	ssyncadd.s32 s7;
	_ =	sdelay $0x1  }
0xa4: {  	s24 =	simm.s32 $0x1B8B  }
0xa5: {  	_ =	swait.ge [sflag:s24], $0x1  }
0xa6: {  	[sflag:s24] =	ssyncset.done $0x0  }
0xa7: {  	s25 =	simm.s32 $0x1B8E;
	[sflag:s24] =	ssyncadd.s32 $0xFFFFFFFF  }
0xa8: {  	s26 =	simm.s32 $execute0_lowered;
	[smem:$0x3FD2] =	sst s25  }
0xa9: {  	s7 =	sshll.u32 s26, $0x1;
	_ =	strace $0x80000046;
	[dreg:$0x1] =	wrdreg $0xFFFFFFFF  }
0xaa: {  	s28 =	simm.s32 $_size_execute0_lowered;
	s6 =	sadd.s32 s6, s7;
	[dreg:$0x0] =	wrdreg $0x0  }
0xab: {  	s7 =	sshll.u32 s28, $0x1;
	[dreg:$0x2] =	wrdreg s6  }
0xac: {  	[dreg:$0x3] =	wrdreg s7  }
0xad: {  	[dreg:$0x4] =	wrdreg $0xC0  }
0xae: {  	_ =	task [dreg:s10], $0x5FFFF  }
0xaf: {  	[dreg:$0x1] =	wrdreg $0xFFFFFFFF  }
0xb0: {  	[dreg:$0x0] =	wrdreg $0x60  }
0xb1: {  	[dreg:$0x2] =	wrdreg s2  }
0xb2: {  	[dreg:$0x3] =	wrdreg s19  }
0xb3: {  	[dreg:$0x4] =	wrdreg s4  }
0xb4: {  	[dreg:$0x5] =	wrdreg s5  }
0xb5: {  	[dreg:$0x6] =	wrdreg $0x9  }
0xb6: {  	_ =	task.clear_ibuf [dreg:s10], $0x7FFFF;
	_ =	strace $0x90000046  }
0xb7: {  	s29 =	simm.s32 $0x9;
	_ =	strace $0x80000048  }
0xb8: {  	_ =	swait.ge [sflag:s29], $0x1  }
0xb9: {  	[sflag:s29] =	ssyncadd.s32 $0xFFFFFFFF  }
0xba: {  	_ =	strace $0x90000048  }
0xbb: {  	_ =	sfence  }
0xbc: {  	s30 =	sld [smem:$0x0];
	_ =	sdelay $0x2  }
0xbd: {  	s31 =	sshll.u32 s1, $0xD;
	s1 =	sshrl.u32 s1, $0x2  }
0xbe: {  	s3 =	sand.u32 $0x4000, s31;
	s1 =	sadd.s32 s1, s30  }
0xbf: {  	s0 =	sor.u32 s3, s0;
	s1 =	sshll.u32 s1, $0x11  }
0xc0: {  	s0 =	sor.u32 s1, s0  }
0xc1: {  	s0 =	sadd.s32 $0x8F2B, s0  }
0xc2: {  	[sflag:s0] =	ssyncadd.remote.s32 $0x1  }
0xc3: {  	_ =	sfence.sel $0xFFFF  }
0xc4: {  	[dreg:$0x0] =	wrdreg $0xFFFFFFFF;
	(pc) =	sbr.abs _section_cstart, $3  }
0xc5: {  	[dreg:$0x1] =	wrdreg $0xFFFFFFFF  }
0xc6: {  	_ =	task.clear_ibuf [dreg:s10], $0x2FFFF;
	_ =	strace $0x9FFFFFFF  }
0xc7: {  	(tm) =	ssettm $0x7FFFFFFF  }
tec
execute0_lowered:
.L_overlay_start_1:
0x0: {  	(tag) =	ssettag $0x1  }
0x1: {  	s2 =	rddreg [dreg:$0x0]  }
0x2: {  	s3 =	rddreg [dreg:$0x1]  }
0x3: {  	s4 =	rddreg [dreg:$0x2]  }
0x4: {  	s9 =	rddreg [dreg:$0x3]  }
0x5: {  	s1 =	stileid.u32;
	s6 =	srdreg.scid;
	s5 =	simm.s32 $0x0  }
0x6: {  	s13 =	simm.s32 $0x800;
	s15 =	simm.s32 $0x1;
	s16 =	simm.s32 $0x10080  }
0x7: {  	s17 =	simm.s32 $0x18080;
	s18 =	simm.s32 $0x18100;
	s19 =	simm.s32 $0x0  }
0x8: {  	s7 =	sshrl.u32 s1, $0x3;
	s6 =	sand.u32 $0x1, s6;
	[smem:$0x7FF] =	sst s5  }
0x9: {  	s10 =	sshll.u32 s1, $0x7;
	s7 =	smul.u32 $0x1800, s7;
	s8 =	sshll.u32 s6, $0xA  }
0xa: {  	s11 =	ssub.s32 $0x2, s6;
	s28 =	sand.u32 $0x380, s10;
	_ =	strace $0x80000047  }
0xb: {  	s30 =	sshll.u32 s6, $0x7;
	s12 =	sor.u32 s6, s1;
	s29 =	sshrl.u32 s11, $0x1  }
.Ltmp0:
0xc: {  	s6 =	sadd.s32 s2, s30;
	s7 =	sor.u32 s8, s7;
	(pc) =	sbr.rel .LBB2_1-.Ltmp0, $4  }
0xd: {  	p0 =	sne.s32 s12, $0x0;
	s12 =	simm.s32 $0x400;
	s7 =	sor.u32 s28, s7  }
0xe: {  	s10 =	ssub.s32 s11, s29;
	s31 =	sadd.s32 $0x800, s7;
	s7 =	sshrl.u32 s7, $0x3  }
0xf: {  	s10 =	smax.u32 s10, $0x1;
	s11 =	sshrl.u32 s31, $0x3;
	s7 =	sadd.s32 s9, s7  }
0x10: {  	v0 =	vimm.s32 $0x10;
	vm0 =	vmmov @!p0 $0xffff;
	s8 =	sadd.s32 s9, s11;
	s9 =	sadd.s32 $0x200, s9;
	s11 =	simm.s32 $0x4  }
.LBB2_6:
0x11: {  	v14 =	vimm.f32 $-Inf  }
0x12: {  	v15 =	vimm.f32 $0.0e+00;
	v1 =	vimm.f32 $0.0e+00;
	v4 =	vimm.f32 $0.0e+00  }
0x13: {  	v6 =	vimm.f32 $0.0e+00;
	v5 =	vimm.f32 $0.0e+00;
	v3 =	vimm.f32 $0.0e+00  }
0x14: {  	v2 =	vimm.f32 $0.0e+00;
	v16 =	vimm.f32 $0.0e+00;
	v7 =	vimm.f32 $-Inf  }
0x15: {  	v12 =	vimm.f32 $-Inf;
	v11 =	vimm.f32 $-Inf;
	v10 =	vimm.f32 $-Inf  }
0x16: {  	v9 =	vimm.f32 $-Inf;
	v8 =	vimm.f32 $-Inf;
	v13 =	vimm.f32 $-Inf  }
.LBB2_19:
0x17: {  	s0 =	ssub.s32 s21, s20  }
0x18: {  	s0 =	scvt.s32.f32 s0;
	_ =	sdelay $0x1  }
0x19: {  	v17 =	vmov s0  }
0x1a: {  	v17 =	vmax.f32 v17, $1.000000000e+00  }
0x1b: {  	v17 =	vbroadcast v17, $0x0;
	_ =	sdelay $0x1  }
0x1c: {  	(erf) = vrcp.f32 v17;
	_ =	sdelay $0x8  }
0x1d: {  	[tilespmem:$0x18100] =	vst v14;
	v17 =	vpop (erf)  }
0x1e: {  	[tilespmem:$0x18110] =	vst v7;
	v1 =	vmul.f32 v1, v17  }
0x1f: {  	[tilespmem:$0x18120] =	vst v12  }
0x20: {  	[tilespmem:$0x18090] =	vst v1;
	v1 =	vmul.f32 v4, v17  }
0x21: {  	[tilespmem:$0x18130] =	vst v11  }
0x22: {  	[tilespmem:$0x180A0] =	vst v1;
	v1 =	vmul.f32 v6, v17  }
0x23: {  	[tilespmem:$0x18140] =	vst v10  }
0x24: {  	[tilespmem:$0x180B0] =	vst v1;
	v1 =	vmul.f32 v5, v17  }
0x25: {  	[tilespmem:$0x18150] =	vst v9  }
0x26: {  	[tilespmem:$0x180C0] =	vst v1;
	v1 =	vmul.f32 v3, v17  }
0x27: {  	[tilespmem:$0x18160] =	vst v8  }
0x28: {  	[tilespmem:$0x180D0] =	vst v1;
	v1 =	vmul.f32 v2, v17  }
0x29: {  	[tilespmem:$0x18170] =	vst v13;
	v15 =	vmul.f32 v15, v17  }
0x2a: {  	[tilespmem:$0x180E0] =	vst v1;
	v1 =	vmul.f32 v16, v17  }
0x2b: {  	[tilespmem:$0x18080] =	vst v15  }
0x2c: {  	[tilespmem:$0x180F0] =	vst v1  }
0x2d: {  	[hbm4b:s7+s5] =	stream.linear.scatter [tilespmem:s17], [sflag:$0x4], $0x80, $0x38;
	[tilespmem:$0x19200] =	vst v63  }
0x2e: {  	_ =	swait.ge [sflag:s11], $0x80  }
0x2f: {  	[sflag:s11] =	ssyncset.done $0x0  }
0x30: {  	[sflag:s11] =	ssyncadd.s32 $0xFFFFFF80  }
0x31: {  	[hbm4b:s8+s5] =	stream.linear.scatter [tilespmem:s18], [sflag:$0x4], $0x80, $0x38;
	[tilespmem:$0x19200] =	vst v63  }
0x32: {  	_ =	swait.ge [sflag:s11], $0x80  }
0x33: {  	[sflag:s11] =	ssyncset.done $0x0  }
0x34: {  	s0 =	simm.s32 @!p0 $0x3;
	[sflag:s11] =	ssyncadd.s32 $0xFFFFFF80  }
0x35: {  	s14 =	simm.s32 @!p0 $0x1800;
	_ =	swait.ge @!p0 [sflag:s0], $0x1000  }
0x36: {  	s20 =	simm.s32 @!p0 $0x18200;
	s19 =	sadd.s32 $0x1, s19;
	[sflag:s0] =	ssyncset.done @!p0 $0x0  }
0x37: {  	p1 =	sne.s32 s19, s10;
	[sflag:s0] =	ssyncadd.s32 @!p0 $0xFFFFF000;
	s0 =	simm.s32 @!p0 $0x800  }
0x38: {  	[hbm4b:s9+s0] =	stream.strided.scatter @!p0 [tilespmem:s20], [sflag:$0x4], $0x1000, s14, s0, $0x38;
	[tilespmem:$0x19200] =	vst v63  }
.Ltmp1:
0x39: {  	_ = 	snop;
	(pc) =	sbr.rel @!p1 .LBB2_20-.Ltmp1, $4  }
0x3a: {  	s0 =	simm.s32 @!p0 $0x4  }
0x3b: {  	_ =	swait.ge @!p0 [sflag:s0], $0x1000  }
0x3c: {  	[sflag:s0] =	ssyncset.done @!p0 $0x0  }
0x3d: {  	[sflag:s0] =	ssyncadd.s32 @!p0 $0xFFFFF000  }
.LBB2_1:
0x3e: {  	s20 =	simm.s32 @!p0 $0x0;
	s21 =	simm.s32 @!p0 $0x18180  }
0x3f: {  	[tilespmem:s21], [sflag:$0x4] =	stream.linear.gather @!p0 [hbm4b:s4+s20], $0x80, $0x38;
	[tilespmem:$0x19200] =	vst v63  }
0x40: {  	s21 =	simm.s32 @!p0 $0x4  }
0x41: {  	_ =	swait.ge @!p0 [sflag:s21], $0x80  }
0x42: {  	[sflag:s21] =	ssyncset.done @!p0 $0x0  }
0x43: {  	[sflag:s21] =	ssyncadd.s32 @!p0 $0xFFFFFF80  }
0x44: {  	v1 =	vld @!p0 [tilespmem:$0x18180];
	_ =	sdelay $0x4  }
0x45: {  	v2 =	vshll.u32 @!p0 v1, $0x1  }
0x46: {  	v3 =	vlaneseq.u32 @!p0;
	v1 =	vand.u32 @!p0 $0x7, v1;
	v2 =	vand.u32 @!p0 $0xFFFFFFF0, v2  }
0x47: {  	v4 =	vshrl.u32 @!p0 v3, $0x3;
	v1 =	vor.u32 @!p0 v1, v2;
	v2 =	vand.u32 @!p0 $0x7, v3  }
0x48: {  	v4 =	vmul.u32 @!p0 $0x8, v4;
	v2 =	vperm.xlane @!p0 v1, v2  }
0x49: {  	v3 =	vor.u32 @!p0 $0x8, v3  }
0x4a: {  	v1 =	vperm.xlane @!p0 v1, v3;
	v2 =	vadd.s32 @!p0 v4, v2;
	_ =	sdelay $0x1  }
0x4b: {  	v1 =	vadd.s32 @!p0 v4, v1;
	_ =	sdelay $0x1  }
0x4c: {  	s21 =	simm.s32 @!p0 $0x18200  }
0x4d: {  	[tilespmem:s21], [sflag:$0x3] =	stream.indirect_vreg.gather @!p0 [hbm4b:s2+s20], $0x80, v2, vm0, $0xb8;
	[tilespmem:$0x19200] =	vst v63  }
0x4e: {  	s21 =	simm.s32 @!p0 $0x18A00  }
0x4f: {  	[tilespmem:s21], [sflag:$0x3] =	stream.indirect_vreg.gather @!p0 [hbm4b:s2+s20], $0x80, v1, vm0, $0xb8;
	[tilespmem:$0x19200] =	vst v63  }
0x50: {  	_ = 	snop  }
0x51: {  	[tilespmem:s5], [sflag:$0x4] =	stream.linear.gather [hbm4b:s3+s5], $0x8000, $0x38;
	[tilespmem:$0x19200] =	vst v63  }
0x52: {  	_ =	swait.ge [sflag:s11], $0x8000  }
0x53: {  	[sflag:s11] =	ssyncset.done $0x0  }
0x54: {  	s24 =	simm.s32 $0x8000;
	s22 =	simm.s32 $0xF;
	[sflag:s11] =	ssyncadd.s32 $0xFFFF8000  }
0x55: {  	s23 =	simm.s32 $0x8000;
	s21 =	simm.s32 $0x8000;
	s20 =	simm.s32 $0x0;
	[tilespmem:$0x8000] =	vst v0  }
.LBB2_2:
0x56: {  	s25 =	smov.u32 s23  }
0x57: {  	p1 =	sne.s32 s22, $0x1;
	s23 =	sshra.s32 s24, $0x1  }
0x58: {  	v1 =	vld [tilespmem:s23+$0x0];
	_ =	sdelay $0x4  }
0x59: {  	(v2sf) =	vpush v1, $0x0;
	_ =	sdelay $0xd  }
.Ltmp2:
0x5a: {  	(pc) =	sbr.rel @p1 .LBB2_2-.Ltmp2, $4  }
0x5b: {  	s24 =	spop (v2sf)  }
0x5c: {  	p2 =	slt.s32 s24, s1;
	s24 =	sadd.s32 $0x1, s23  }
0x5d: {  	s20 =	smov.u32 @p2 s24;
	s23 =	smov.u32 @p2 s25  }
0x5e: {  	s22 =	sadd.s32 $0xFFFFFFFF, s22;
	s24 =	sadd.s32 s20, s23  }
0x5f: {  	s22 =	sshra.s32 s24, $0x1  }
0x60: {  	v1 =	vld [tilespmem:s22+$0x0];
	_ =	sdelay $0x4  }
0x61: {  	(v2sf) =	vpush v1, $0x0;
	_ =	sdelay $0xe  }
0x62: {  	s23 =	spop (v2sf)  }
0x63: {  	s24 =	simm.s32 $0x8000;
	s22 =	sadd.s32 $0x1, s22;
	p1 =	slt.s32 s23, s1  }
0x64: {  	s23 =	simm.s32 $0x0;
	s20 =	smov.u32 @p1 s22;
	s22 =	simm.s32 $0xF  }
.LBB2_4:
0x65: {  	s25 =	smov.u32 s23  }
0x66: {  	p1 =	sne.s32 s22, $0x1;
	s24 =	sshra.s32 s24, $0x1  }
0x67: {  	v1 =	vld [tilespmem:s24+$0x0];
	_ =	sdelay $0x4  }
0x68: {  	(v2sf) =	vpush v1, $0x0;
	_ =	sdelay $0xd  }
.Ltmp3:
0x69: {  	(pc) =	sbr.rel @p1 .LBB2_4-.Ltmp3, $4  }
0x6a: {  	s23 =	spop (v2sf)  }
0x6b: {  	p2 =	sgt.s32 s23, s1;
	s23 =	sadd.s32 $0x1, s24  }
0x6c: {  	s23 =	smov.u32 @p2 s25;
	s21 =	smov.u32 @p2 s24  }
0x6d: {  	s22 =	sadd.s32 $0xFFFFFFFF, s22;
	s24 =	sadd.s32 s23, s21  }
0x6e: {  	s21 =	sshra.s32 s24, $0x1  }
0x6f: {  	v1 =	vld [tilespmem:s21+$0x0];
	_ =	sdelay $0x4  }
0x70: {  	(v2sf) =	vpush v1, $0x0;
	_ =	sdelay $0xe  }
0x71: {  	s22 =	spop (v2sf)  }
0x72: {  	s21 =	sadd.s32 $0x1, s21;
	p1 =	sgt.s32 s22, s1  }
0x73: {  	s21 =	smov.u32 @p1 s23  }
0x74: {  	s22 =	sadd.s32 $0xFF, s21  }
0x75: {  	s24 =	sshra.s32 s20, $0x8;
	s31 =	sshra.s32 s22, $0x8  }
0x76: {  	s23 =	ssub.s32 s31, s24  }
0x77: {  	p1 =	slt.s32 s23, $0x1  }
.Ltmp4:
0x78: {  	_ = 	snop;
	(pc) =	sbr.rel @p1 .LBB2_6-.Ltmp4, $1  }
0x79: {  	_ =	sdelay $0x3  }
0x7a: {  	s25 =	sshll.u32 s20, $0x5  }
0x7b: {  	s25 =	sand.u32 $0x1FFFE000, s25  }
0x7c: {  	s0 =	simm.s32 $0x8080;
	p1 =	seq.s32 s23, $0x1;
	s25 =	sadd.s32 s25, s6  }
0x7d: {  	[tilespmem:s0], [sflag:$0x1] =	stream.strided.gather [hbm4b:s25+s12], $0x8000, s13, s12, $0x38;
	[tilespmem:$0x19200] =	vst v63  }
0x7e: {  	s25 =	sshll.u32 @!p1 s24, $0xD  }
0x7f: {  	s25 =	sadd.s32 @!p1 $0x2000, s25  }
0x80: {  	s26 =	simm.s32 @!p1 $0x400;
	s25 =	sand.u32 @!p1 $0x1FFFE000, s25  }
0x81: {  	s28 =	simm.s32 @!p1 $0x800;
	s29 =	simm.s32 @!p1 $0x10080;
	s25 =	sadd.s32 @!p1 s25, s6  }
0x82: {  	[tilespmem:s29], [sflag:$0x2] =	stream.strided.gather @!p1 [hbm4b:s25+s26], $0x8000, s28, s26, $0x38;
	[tilespmem:$0x19200] =	vst v63  }
0x83: {  	_ =	swait.ge [sflag:s15], $0x8000  }
0x84: {  	[sflag:s15] =	ssyncset.done $0x0  }
0x85: {  	s14 =	simm.s32 $0x80C0;
	[sflag:s15] =	ssyncadd.s32 $0xFFFF8000  }
0x86: {  	v1 =	vld [tilespmem:s14+$0x30]  }
0x87: {  	s25 =	sand.u32 $0xFFFFFF00, s20;
	v2 =	vld [tilespmem:s14+$0xFFFFFFC0]  }
0x88: {  	s28 =	sadd.s32 $0x0, s25;
	v3 =	vld [tilespmem:s14+$0xFFFFFFD0]  }
0x89: {  	p2 =	sge.s32 s28, s20;
	p3 =	slt.s32 s28, s21;
	v4 =	vld [tilespmem:s14+$0xFFFFFFE0]  }
0x8a: {  	p2 =	por !p2, !p3;
	v5 =	vld [tilespmem:s14+$0xFFFFFFF0]  }
0x8b: {  	s29 =	simm.f32 $1.000000000e+00;
	s28 =	simm.f32 $0.0e+00;
	p2 =	por !p2, !p2;
	v9 =	vld [tilespmem:s14+$0x0]  }
0x8c: {  	v8 =	vimm.f32 $0.0e+00;
	v7 =	vimm.f32 $-Inf;
	v16 =	vimm.f32 $-Inf;
	v13 =	vld [tilespmem:s14+$0x10];
	s28 =	simm.s32 @!p2 $0xFF800000;
	s29 =	simm.s32 @!p2 $0x0  }
0x8d: {  	v17 =	vimm.f32 $0.0e+00;
	v10 =	vadd.f32 s28, v1;
	v6 =	vmul.f32 s29, v1  }
0x8e: {  	v11 =	vmul.f32 s29, v2;
	v12 =	vadd.f32 s28, v2;
	v14 =	vmul.f32 s29, v3  }
0x8f: {  	v15 =	vadd.f32 s28, v3;
	v26 =	vmul.f32 s29, v4;
	v20 =	vadd.f32 s28, v4  }
0x90: {  	v23 =	vmul.f32 s29, v5;
	v24 =	vadd.f32 s28, v5;
	v21 =	vmul.f32 s29, v9  }
0x91: {  	v27 =	vld [tilespmem:s14+$0x20];
	v22 =	vadd.f32 s28, v9;
	v25 =	vmul.f32 s29, v13;
	v19 =	vadd.f32 s28, v13  }
0x92: {  	v13 =	vimm.f32 $-Inf;
	v9 =	vimm.f32 $0.0e+00;
	v1 =	vmax.f32 v7, v10  }
0x93: {  	v2 =	vadd.f32 v11, v8;
	v3 =	vmax.f32 v7, v12;
	v4 =	vadd.f32 v14, v8  }
0x94: {  	s26 =	simm.s32 $0x8140;
	v5 =	vmax.f32 v7, v15;
	v14 =	vimm.f32 $0.0e+00;
	v15 =	vimm.f32 $-Inf  }
0x95: {  	s30 =	simm.s32 $0x2;
	s31 =	sadd.s32 $0x1, s25;
	v18 =	vld [tilespmem:s26+$0x30];
	v11 =	vimm.f32 $0.0e+00;
	v10 =	vimm.f32 $-Inf;
	v12 =	vimm.f32 $0.0e+00  }
.LBB2_8:
0x96: {  	p2 =	sne.s32 s30, $0xFF;
	p3 =	sge.s32 s31, s20;
	p4 =	slt.s32 s31, s21;
	v28 =	vld [tilespmem:s26+$0xFFFFFFC0];
	v8 =	vadd.f32 v26, v8;
	v26 =	vmul.f32 s29, v27;
	v27 =	vadd.f32 s28, v27  }
0x97: {  	v7 =	vmax.f32 v7, v20;
	v14 =	vadd.f32 v23, v14;
	v15 =	vmax.f32 v15, v24;
	p3 =	por !p3, !p4;
	v29 =	vld [tilespmem:s26+$0xFFFFFFD0]  }
0x98: {  	v11 =	vadd.f32 v21, v11;
	v16 =	vmax.f32 v16, v22;
	s29 =	simm.f32 $1.000000000e+00;
	s28 =	simm.f32 $0.0e+00;
	v17 =	vadd.f32 v25, v17;
	p3 =	por !p3, !p3;
	v20 =	vld [tilespmem:s26+$0xFFFFFFE0]  }
0x99: {  	v10 =	vmax.f32 v10, v19;
	v12 =	vadd.f32 v26, v12;
	v13 =	vmax.f32 v13, v27;
	s29 =	simm.s32 @!p3 $0x0;
	s28 =	simm.s32 @!p3 $0xFF800000;
	v21 =	vld [tilespmem:s26+$0xFFFFFFF0]  }
0x9a: {  	v9 =	vadd.f32 v6, v9;
	v19 =	vld [tilespmem:s26+$0x0];
	v22 =	vadd.f32 s28, v18;
	v6 =	vmul.f32 s29, v18  }
0x9b: {  	v18 =	vmul.f32 s29, v28;
	v23 =	vadd.f32 s28, v28;
	v28 =	vld [tilespmem:s26+$0x10]  }
.Ltmp5:
0x9c: {  	v25 =	vmul.f32 s29, v29;
	v29 =	vadd.f32 s28, v29;
	v27 =	vld [tilespmem:s26+$0x20];
	v1 =	vmax.f32 v1, v22;
	(pc) =	sbr.rel @p2 .LBB2_8-.Ltmp5, $4  }
0x9d: {  	v2 =	vadd.f32 v18, v2;
	v26 =	vmul.f32 s29, v20;
	v20 =	vadd.f32 s28, v20  }
0x9e: {  	v3 =	vmax.f32 v3, v23;
	v23 =	vmul.f32 s29, v21;
	v24 =	vadd.f32 s28, v21  }
0x9f: {  	s26 =	sadd.s32 $0x80, s26;
	v4 =	vadd.f32 v25, v4;
	v21 =	vmul.f32 s29, v19;
	v22 =	vadd.f32 s28, v19  }
0xa0: {  	s31 =	sadd.s32 s30, s25;
	s30 =	sadd.s32 $0x1, s30;
	v5 =	vmax.f32 v5, v29;
	v18 =	vld [tilespmem:s26+$0x30];
	v25 =	vmul.f32 s29, v28;
	v19 =	vadd.f32 s28, v28  }
0xa1: {  	v28 =	vld [tilespmem:s26+$0xFFFFFFC0]  }
0xa2: {  	p2 =	sge.s32 s31, s20;
	p3 =	slt.s32 s31, s21;
	v8 =	vadd.f32 v26, v8;
	v54 =	vmul.f32 s29, v27;
	v55 =	vadd.f32 s28, v27;
	v29 =	vld [tilespmem:s26+$0xFFFFFFD0]  }
0xa3: {  	v20 =	vmax.f32 v7, v20;
	v23 =	vadd.f32 v23, v14;
	v24 =	vmax.f32 v15, v24;
	v7 =	vld [tilespmem:s26+$0xFFFFFFE0];
	p2 =	por !p2, !p3  }
0xa4: {  	v21 =	vadd.f32 v21, v11;
	v16 =	vmax.f32 v16, v22;
	s25 =	simm.f32 $1.000000000e+00;
	s28 =	simm.f32 $0.0e+00;
	v19 =	vmax.f32 v10, v19;
	v10 =	vld [tilespmem:s26+$0x0];
	p2 =	por !p2, !p2  }
0xa5: {  	v11 =	vld [tilespmem:s26+$0xFFFFFFF0];
	v17 =	vadd.f32 v25, v17;
	v56 =	vadd.f32 v54, v12;
	v57 =	vmax.f32 v13, v55;
	s25 =	simm.s32 @!p2 $0x0;
	s28 =	simm.s32 @!p2 $0xFF800000  }
0xa6: {  	v58 =	vmul.f32 s25, v18;
	v12 =	vadd.f32 s28, v18;
	v18 =	vadd.f32 v6, v9  }
0xa7: {  	v14 =	vmul.f32 s25, v28;
	v6 =	vadd.f32 s28, v28;
	v59 =	vmul.f32 s25, v29  }
0xa8: {  	v9 =	vld [tilespmem:s26+$0x10];
	v60 =	vadd.f32 s28, v29;
	v13 =	vmax.f32 v1, v12;
	v12 =	vadd.f32 s28, v7  }
0xa9: {  	v61 =	vld [tilespmem:s26+$0x20];
	v62 =	vmul.f32 s25, v10;
	v10 =	vadd.f32 s28, v10;
	v15 =	vadd.f32 v14, v2  }
0xaa: {  	v2 =	vmul.f32 s25, v7;
	v14 =	vmax.f32 v3, v6;
	v3 =	vmul.f32 s25, v11  }
0xab: {  	p2 =	slt.u32 s23, $0x3;
	v11 =	vadd.f32 s28, v11;
	v1 =	vadd.f32 v59, v4;
	v7 =	vmax.f32 v5, v60  }
.Ltmp6:
0xac: {  	v12 =	vmax.f32 v20, v12;
	v5 =	vadd.f32 v62, v21;
	v10 =	vmax.f32 v16, v10;
	(pc) =	sbr.rel @p2 .LBB2_15-.Ltmp6, $4  }
0xad: {  	v16 =	vadd.f32 v58, v18;
	v63 =	vmul.f32 s25, v9;
	v9 =	vadd.f32 s28, v9  }
0xae: {  	v4 =	vadd.f32 v2, v8;
	v2 =	vmul.f32 s25, v61;
	v8 =	vadd.f32 s28, v61  }
0xaf: {  	v6 =	vadd.f32 v3, v23;
	v11 =	vmax.f32 v24, v11;
	v3 =	vadd.f32 v63, v17  }
0xb0: {  	v9 =	vmax.f32 v19, v9;
	v2 =	vadd.f32 v2, v56;
	v8 =	vmax.f32 v57, v8  }
0xb1: {  	s25 =	sadd.s32 $0xFFFFFFFE, s23;
	s28 =	simm.s32 $0x1;
	s26 =	simm.s32 $0x100  }
.LBB2_12:
0xb2: {  	s29 =	sadd.s32 $0x1, s28  }
0xb3: {  	s30 =	sadd.s32 s24, s29;
	s31 =	sand.u32 $0x1, s29  }
0xb4: {  	s30 =	sshll.u32 s30, $0xD;
	p2 =	seq.s32 s31, $0x1  }
0xb5: {  	s30 =	sand.u32 $0x1FFFE000, s30;
	s31 =	simm.s32 @!p2 $0x400  }
0xb6: {  	s0 =	simm.s32 @!p2 $0x800;
	s14 =	simm.s32 @!p2 $0x8080;
	s30 =	sadd.s32 s30, s6  }
0xb7: {  	[tilespmem:s14], [sflag:$0x1] =	stream.strided.gather @!p2 [hbm4b:s30+s31], $0x8000, s0, s31, $0x38;
	[tilespmem:$0x19200] =	vst v63  }
0xb8: {  	s0 =	sand.u32 @!p2 $0x1, s28;
	s14 =	sshll.u32 s26, $0x7  }
0xb9: {  	p3 =	seq.s32 @!p2 s0, $0x1;
	s0 =	sand.u32 $0x8000, s14  }
0xba: {  	s14 =	sand.u32 $0x1, s28;
	p2 =	por p2, !p3;
	s0 =	sadd.s32 $0x80C0, s0  }
0xbb: {  	[tilespmem:s16], [sflag:$0x2] =	stream.strided.gather @p2 [hbm4b:s30+s12], $0x8000, s13, s12, $0x38;
	[tilespmem:$0x19200] =	vst v63  }
0xbc: {  	p2 =	seq.s32 s14, $0x1;
	s14 =	simm.s32 $0x2;
	v17 =	vmov s0  }
0xbd: {  	s14 =	simm.s32 @!p2 $0x1  }
0xbe: {  	_ =	swait.ge [sflag:s14], $0x8000  }
0xbf: {  	[sflag:s14] =	ssyncset.done $0x0  }
0xc0: {  	[sflag:s14] =	ssyncadd.s32 $0xFFFF8000;
	s14 =	simm.s32 $0x0  }
0xc1: {  	v23 =	vld.idx.msk [tilespmem:v17+s14+$0x30 ss:$0x1], $0xffff  }
0xc2: {  	v24 =	vld.idx.msk [tilespmem:v17+s14+$0xFFFFFFC0 ss:$0x1], $0xffff  }
0xc3: {  	v22 =	vld.idx.msk [tilespmem:v17+s14+$0xFFFFFFD0 ss:$0x1], $0xffff  }
0xc4: {  	v21 =	vld.idx.msk [tilespmem:v17+s14+$0xFFFFFFE0 ss:$0x1], $0xffff  }
0xc5: {  	v20 =	vld.idx.msk [tilespmem:v17+s14+$0xFFFFFFF0 ss:$0x1], $0xffff  }
0xc6: {  	v19 =	vld.idx.msk [tilespmem:v17+s14+$0x0 ss:$0x1], $0xffff  }
0xc7: {  	v18 =	vld.idx.msk [tilespmem:v17+s14+$0x10 ss:$0x1], $0xffff;
	v16 =	vadd.f32 v23, v16  }
0xc8: {  	s31 =	simm.s32 $0x400;
	s30 =	simm.s32 $0x80;
	v13 =	vmax.f32 v13, v23;
	v15 =	vadd.f32 v24, v15;
	v14 =	vmax.f32 v14, v24;
	v23 =	vld.idx.msk [tilespmem:v17+s14+$0x20 ss:$0x1], $0xffff  }
.LBB2_13:
0xc9: {  	p2 =	seq.s32 s31, $0x1FE00;
	v24 =	vld.idx.msk [tilespmem:v17+s30+$0x30 ss:$0x1], $0xffff;
	v1 =	vadd.f32 v22, v1;
	v7 =	vmax.f32 v7, v22  }
0xca: {  	v4 =	vadd.f32 v21, v4;
	v12 =	vmax.f32 v12, v21;
	v25 =	vld.idx.msk [tilespmem:v17+s30+$0xFFFFFFC0 ss:$0x1], $0xffff  }
0xcb: {  	v6 =	vadd.f32 v20, v6;
	v11 =	vmax.f32 v11, v20;
	v22 =	vld.idx.msk [tilespmem:v17+s30+$0xFFFFFFD0 ss:$0x1], $0xffff  }
.Ltmp7:
0xcc: {  	v5 =	vadd.f32 v19, v5;
	v10 =	vmax.f32 v10, v19;
	v21 =	vld.idx.msk [tilespmem:v17+s30+$0xFFFFFFE0 ss:$0x1], $0xffff;
	(pc) =	sbr.rel @!p2 .LBB2_13-.Ltmp7, $4  }
0xcd: {  	v3 =	vadd.f32 v18, v3;
	v9 =	vmax.f32 v9, v18;
	v20 =	vld.idx.msk [tilespmem:v17+s30+$0xFFFFFFF0 ss:$0x1], $0xffff  }
0xce: {  	v2 =	vadd.f32 v23, v2;
	v8 =	vmax.f32 v8, v23;
	v19 =	vld.idx.msk [tilespmem:v17+s30+$0x0 ss:$0x1], $0xffff  }
0xcf: {  	v16 =	vadd.f32 v24, v16;
	v13 =	vmax.f32 v13, v24;
	v18 =	vld.idx.msk [tilespmem:v17+s30+$0x10 ss:$0x1], $0xffff  }
0xd0: {  	v15 =	vadd.f32 v25, v15;
	v14 =	vmax.f32 v14, v25;
	v23 =	vld.idx.msk [tilespmem:v17+s30+$0x20 ss:$0x1], $0xffff;
	s30 =	sshra.s32 s31, $0x2;
	s31 =	sadd.s32 $0x200, s31  }
0xd1: {  	_ =	sdelay $0x3  }
0xd2: {  	v24 =	vld.idx.msk [tilespmem:v17+s30+$0x30 ss:$0x1], $0xffff  }
0xd3: {  	v25 =	vld.idx.msk [tilespmem:v17+s30+$0xFFFFFFC0 ss:$0x1], $0xffff  }
0xd4: {  	v26 =	vld.idx.msk [tilespmem:v17+s30+$0xFFFFFFD0 ss:$0x1], $0xffff  }
0xd5: {  	v1 =	vadd.f32 v22, v1;
	v27 =	vld.idx.msk [tilespmem:v17+s30+$0xFFFFFFE0 ss:$0x1], $0xffff  }
0xd6: {  	v7 =	vmax.f32 v7, v22;
	v4 =	vadd.f32 v21, v4;
	v12 =	vmax.f32 v12, v21;
	v62 =	vld.idx.msk [tilespmem:v17+s30+$0xFFFFFFF0 ss:$0x1], $0xffff  }
0xd7: {  	v63 =	vld.idx.msk [tilespmem:v17+s30+$0x0 ss:$0x1], $0xffff;
	v6 =	vadd.f32 v20, v6;
	v11 =	vmax.f32 v11, v20;
	v5 =	vadd.f32 v19, v5  }
0xd8: {  	v10 =	vmax.f32 v10, v19;
	v3 =	vadd.f32 v18, v3;
	v9 =	vmax.f32 v9, v18;
	v18 =	vld.idx.msk [tilespmem:v17+s30+$0x10 ss:$0x1], $0xffff  }
0xd9: {  	v17 =	vld.idx.msk [tilespmem:v17+s30+$0x20 ss:$0x1], $0xffff;
	v2 =	vadd.f32 v23, v2;
	v8 =	vmax.f32 v8, v23;
	v16 =	vadd.f32 v24, v16  }
0xda: {  	v13 =	vmax.f32 v13, v24;
	v15 =	vadd.f32 v25, v15;
	v14 =	vmax.f32 v14, v25  }
0xdb: {  	v1 =	vadd.f32 v26, v1;
	v7 =	vmax.f32 v7, v26;
	v4 =	vadd.f32 v27, v4  }
0xdc: {  	v12 =	vmax.f32 v12, v27;
	v6 =	vadd.f32 v62, v6;
	v11 =	vmax.f32 v11, v62  }
0xdd: {  	v5 =	vadd.f32 v63, v5;
	v10 =	vmax.f32 v10, v63;
	v3 =	vadd.f32 v18, v3  }
0xde: {  	v9 =	vmax.f32 v9, v18;
	v2 =	vadd.f32 v17, v2;
	v8 =	vmax.f32 v8, v17  }
0xdf: {  	p2 =	seq.s32 s28, s25  }
.Ltmp8:
0xe0: {  	_ = 	snop;
	(pc) =	sbr.rel @!p2 .LBB2_12-.Ltmp8, $2  }
0xe1: {  	_ =	sdelay $0x2  }
0xe2: {  	s26 =	sadd.s32 $0x100, s26;
	s28 =	smov.u32 s29  }
.LBB2_15:
.Ltmp9:
0xe3: {  	(pc) =	sbr.rel @p1 .LBB2_19-.Ltmp9, $1  }
0xe4: {  	_ =	sdelay $0x3  }
0xe5: {  	s0 =	sadd.s32 $0xFFFFFFFF, s23  }
0xe6: {  	s0 =	sand.u32 $0x1, s0  }
0xe7: {  	s14 =	simm.s32 $0x2;
	p1 =	seq.s32 s0, $0x1  }
0xe8: {  	s14 =	simm.s32 @!p1 $0x1  }
0xe9: {  	_ =	swait.ge [sflag:s14], $0x8000  }
0xea: {  	s0 =	sshll.u32 s0, $0xF;
	[sflag:s14] =	ssyncset.done $0x0  }
0xeb: {  	s0 =	sadd.s32 $0x80C0, s0;
	[sflag:s14] =	ssyncadd.s32 $0xFFFF8000  }
0xec: {  	v17 =	vld [tilespmem:s0+$0x30]  }
0xed: {  	s22 =	sand.u32 $0xFFFFFF00, s22;
	v18 =	vld [tilespmem:s0+$0xFFFFFFC0]  }
0xee: {  	s31 =	sadd.s32 $0xFFFFFF00, s22;
	v19 =	vld [tilespmem:s0+$0xFFFFFFD0]  }
0xef: {  	p6 =	sge.s32 s31, s20;
	p2 =	slt.s32 s31, s21;
	v20 =	vld [tilespmem:s0+$0xFFFFFFE0]  }
0xf0: {  	p1 =	por !p6, !p2;
	v22 =	vld [tilespmem:s0+$0xFFFFFFF0]  }
0xf1: {  	s23 =	simm.f32 $0.0e+00;
	p1 =	por !p1, !p1  }
0xf2: {  	s24 =	simm.f32 $1.000000000e+00;
	s23 =	simm.s32 @!p1 $0xFF800000  }
0xf3: {  	s24 =	simm.s32 @!p1 $0x0;
	v21 =	vadd.f32 s23, v17  }
0xf4: {  	p1 =	por $0x0, $0x0;
	v24 =	vld [tilespmem:s0+$0x0];
	v23 =	vmul.f32 s24, v18;
	v27 =	vadd.f32 s23, v18;
	v28 =	vmul.f32 s24, v19  }
.Ltmp10:
0xf5: {  	v25 =	vld [tilespmem:s0+$0x10];
	v26 =	vadd.f32 s23, v19;
	v18 =	vadd.f32 s23, v20;
	v19 =	vmul.f32 s24, v22;
	(pc) =	sbr.rel @p1 .LBB2_18-.Ltmp10, $3  }
0xf6: {  	v13 =	vmax.f32 v13, v21;
	v21 =	vmul.f32 s24, v20;
	v20 =	vadd.f32 s23, v22;
	v22 =	vld [tilespmem:s0+$0x20];
	_ =	sdelay $0x1  }
0xf7: {  	v17 =	vmul.f32 s24, v17;
	v15 =	vadd.f32 v23, v15;
	v14 =	vmax.f32 v14, v27  }
0xf8: {  	s25 =	simm.s32 $0xFFFFFF01;
	s26 =	sadd.s32 $0x80, s0;
	v1 =	vadd.f32 v28, v1;
	v23 =	vmul.f32 s24, v24;
	v24 =	vadd.f32 s23, v24  }
.LBB2_17:
0xf9: {  	s0 =	sadd.s32 s25, s22;
	v27 =	vld [tilespmem:s26+$0x30];
	s25 =	sadd.s32 $0x1, s25;
	v7 =	vmax.f32 v7, v26;
	v26 =	vmul.f32 s24, v25;
	v25 =	vadd.f32 s23, v25  }
0xfa: {  	v4 =	vadd.f32 v21, v4;
	p2 =	sge.s32 s0, s20;
	p3 =	slt.s32 s0, s21;
	v28 =	vld [tilespmem:s26+$0xFFFFFFC0];
	p1 =	seq.s32 s25, $0x0;
	v21 =	vmul.f32 s24, v22;
	v22 =	vadd.f32 s23, v22  }
0xfb: {  	v12 =	vmax.f32 v12, v18;
	v6 =	vadd.f32 v19, v6;
	v11 =	vmax.f32 v11, v20;
	p2 =	por !p2, !p3;
	v29 =	vld [tilespmem:s26+$0xFFFFFFD0]  }
0xfc: {  	v5 =	vadd.f32 v23, v5;
	v10 =	vmax.f32 v10, v24;
	s24 =	simm.f32 $1.000000000e+00;
	s23 =	simm.f32 $0.0e+00;
	v3 =	vadd.f32 v26, v3;
	p2 =	por !p2, !p2;
	v18 =	vld [tilespmem:s26+$0xFFFFFFE0]  }
0xfd: {  	v9 =	vmax.f32 v9, v25;
	v2 =	vadd.f32 v21, v2;
	v8 =	vmax.f32 v8, v22;
	s24 =	simm.s32 @!p2 $0x0;
	s23 =	simm.s32 @!p2 $0xFF800000;
	v20 =	vld [tilespmem:s26+$0xFFFFFFF0]  }
0xfe: {  	v16 =	vadd.f32 v17, v16;
	v24 =	vld [tilespmem:s26+$0x0];
	v19 =	vadd.f32 s23, v27;
	v17 =	vmul.f32 s24, v27  }
.Ltmp11:
0xff: {  	v21 =	vmul.f32 s24, v28;
	v23 =	vadd.f32 s23, v28;
	v25 =	vld [tilespmem:s26+$0x10];
	(pc) =	sbr.rel @!p1 .LBB2_17-.Ltmp11, $4  }
0x100: {  	v27 =	vmul.f32 s24, v29;
	v26 =	vadd.f32 s23, v29;
	v22 =	vld [tilespmem:s26+$0x20];
	v13 =	vmax.f32 v13, v19  }
0x101: {  	v15 =	vadd.f32 v21, v15;
	v21 =	vmul.f32 s24, v18;
	v18 =	vadd.f32 s23, v18  }
0x102: {  	v14 =	vmax.f32 v14, v23;
	v19 =	vmul.f32 s24, v20;
	v20 =	vadd.f32 s23, v20  }
0x103: {  	s26 =	sadd.s32 $0x80, s26;
	v1 =	vadd.f32 v27, v1;
	v23 =	vmul.f32 s24, v24;
	v24 =	vadd.f32 s23, v24  }
.LBB2_18:
0x104: {  	v7 =	vmax.f32 v7, v26  }
.Ltmp12:
0x105: {  	v60 =	vmul.f32 s24, v25;
	v61 =	vadd.f32 s23, v25;
	v4 =	vadd.f32 v21, v4;
	(pc) =	sbr.rel .LBB2_19-.Ltmp12, $4  }
0x106: {  	v12 =	vmax.f32 v12, v18;
	v6 =	vadd.f32 v19, v6;
	v11 =	vmax.f32 v11, v20  }
0x107: {  	v16 =	vadd.f32 v17, v16;
	v62 =	vmul.f32 s24, v22;
	v63 =	vadd.f32 s23, v22  }
0x108: {  	v5 =	vadd.f32 v23, v5;
	v10 =	vmax.f32 v10, v24;
	v3 =	vadd.f32 v60, v3  }
0x109: {  	v9 =	vmax.f32 v9, v61;
	v2 =	vadd.f32 v62, v2;
	v8 =	vmax.f32 v8, v63  }
.LBB2_20:
0x10a: {  	_ =	sfence.sel $0x180000  }
0x10b: {  	[bflag:$0x0] =	sbarrier.arrive $0xFFFF  }
0x10c: {  	_ =	strace $0x90000047  }
0x10d: {  	[bflag:$0x2] =	sbarrier.arrive $0xFFFF  }
0x10e: {  	p0 =	sne.s32 s1, $0x0;
	s0 =	rddreg [dreg:$0x4]  }
0x10f: {  	s0 =	sadd.s32 @!p0 $0x100000, s0  }
0x110: {  	[sflag:s0] =	ssyncadd.tile.s32 @!p0 $0x1;
	_ =	shalt  }
.Lfunc_end2:
_tile_overlayer_lowered:
.L_overlay_start_2:
0x111: {  	(tag) =	ssettag $0x2  }
0x112: {  	s0 =	rddreg [dreg:$0x0];
	s2 =	stileid.u32  }
0x113: {  	s1 =	rddreg [dreg:$0x1];
	p0 =	sne.s32 s2, $0x0  }
0x114: {  	s3 =	rddreg [dreg:$0x2];
	[bflag:$0x3] =	sbarrier.arrive $0xFFFF;
	s2 =	simm.s32 @!p0 $0x1C04  }
0x115: {  	[timem:s3], [sflag:s2] =	dma.local @!p0 [hbm:s0], s1  }
0x116: {  	s0 =	simm.s32 @!p0 $0x4  }
0x117: {  	_ =	swait.ge @!p0 [sflag:s0], s1  }
0x118: {  	s1 =	ssub.s32 @!p0 $0x0, s1;
	[sflag:s0] =	ssyncset.done @!p0 $0x0  }
0x119: {  	[sflag:s0] =	ssyncadd.s32 @!p0 s1  }
0x11a: {  	[bflag:$0x3] =	sbarrier.arrive $0xFFFF  }
0x11b: {  	_ =	shalt  }

</sc_bundles>
